<compile_context>
chip_gen: v7x
topology: tpu7x:2x2x1
jax: 0.10.2.dev20260603
libtpu: 0.0.44.dev20260713+nightly
codegen_flags: <defaults>
</compile_context>

<pallas_src>
import jax
import jax.numpy as jnp
from jax import lax
from jax.experimental import pallas as pl
from jax.experimental.pallas import tpu as pltpu
from jax.experimental.pallas import tpu_sc as plsc

VOCAB = 100000
EMBED_DIM = 128
BATCH = 4096
SEQ = 50

_INFO = plsc.get_sparse_core_info()
NC = _INFO.num_cores
NS = _INFO.num_subcores
NW = NC * NS

SAMPLES_PER_W = BATCH // NW
NCHUNK = SEQ
NBUF = 5
LAG = 2


def _body(senA_hbm, senB_hbm, table_hbm, outA_hbm, outB_hbm,
          idx_v, rows_bufs, gsems, ssems):
    wid = lax.axis_index("s") * NC + lax.axis_index("c")
    sbase = wid * SAMPLES_PER_W

    for sen_hbm, out_hbm in ((senA_hbm, outA_hbm), (senB_hbm, outB_hbm)):
        pltpu.sync_copy(sen_hbm.at[wid], idx_v)

        for b in range(NBUF):
            pltpu.async_copy(table_hbm.at[idx_v.at[b]], rows_bufs[b], gsems[b])

        def round_(t0, _):
            for b in range(NBUF):
                t = t0 + b
                pltpu.make_async_copy(table_hbm.at[idx_v.at[t]], rows_bufs[b],
                                      gsems[b]).wait()
                pltpu.async_copy(
                    rows_bufs[b], out_hbm.at[t, pl.ds(sbase, SAMPLES_PER_W)],
                    ssems[b])

                b2 = (b - LAG) % NBUF
                t_new = t - LAG + NBUF

                @pl.when(jnp.logical_and(t >= LAG, t_new < NCHUNK))
                def _():
                    pltpu.make_async_copy(
                        rows_bufs[b2],
                        out_hbm.at[t - LAG, pl.ds(sbase, SAMPLES_PER_W)],
                        ssems[b2]).wait()
                    pltpu.async_copy(table_hbm.at[idx_v.at[t_new]],
                                     rows_bufs[b2], gsems[b2])
            return _

        lax.fori_loop(0, NCHUNK // NBUF, lambda i, c: round_(i * NBUF, c),
                      None)

        for b in range(NBUF):
            t = NCHUNK - NBUF + b
            pltpu.make_async_copy(
                rows_bufs[b], out_hbm.at[t, pl.ds(sbase, SAMPLES_PER_W)],
                ssems[b]).wait()


@jax.jit
def _gather_all(senA3, senB3, table):
    mesh = plsc.VectorSubcoreMesh(core_axis_name="c", subcore_axis_name="s")
    kern = pl.kernel(
        _body,
        out_type=(
            jax.ShapeDtypeStruct((SEQ, BATCH, EMBED_DIM), jnp.float32),
            jax.ShapeDtypeStruct((SEQ, BATCH, EMBED_DIM), jnp.float32),
        ),
        mesh=mesh,
        scratch_types=[
            pltpu.VMEM((NCHUNK, SAMPLES_PER_W), jnp.int32),
            [pltpu.VMEM((SAMPLES_PER_W, EMBED_DIM), jnp.float32)
             for _ in range(NBUF)],
            [pltpu.SemaphoreType.DMA for _ in range(NBUF)],
            [pltpu.SemaphoreType.DMA for _ in range(NBUF)],
        ],
    )
    return kern(senA3, senB3, table)


def kernel(senA, senB, table):
    senA3 = senA.T.reshape(SEQ, NW, SAMPLES_PER_W).transpose(1, 0, 2)
    senB3 = senB.T.reshape(SEQ, NW, SAMPLES_PER_W).transpose(1, 0, 2)
    outA3, outB3 = _gather_all(senA3, senB3, table)
    return outA3.transpose(1, 0, 2), outB3.transpose(1, 0, 2)

# --- scband reference (transcript-rebuilt; emitter-appended) ---
"""Pipeline reference for scband-model-26139170964023 (READ-ONLY COPY).

The authoritative reference and input builder live on the scoring server;
editing this copy changes nothing except your own understanding.
"""

import jax, jax.numpy as jnp
import numpy as np

VOCAB = 100000
EMBED_DIM = 128
BATCH = 4096
SEQ = 50

def setup_inputs(seed: int = 0) -> dict:
    key = jax.random.key(seed)
    k1, k2, k3 = jax.random.split(key, 3)
    senA = jax.random.randint(k1, (BATCH, SEQ), 0, VOCAB, dtype=jnp.int64 if jax.config.jax_enable_x64 else jnp.int32).astype(jnp.int32)
    senB = jax.random.randint(k2, (BATCH, SEQ), 0, VOCAB, dtype=jnp.int32)
    table = jax.random.normal(k3, (VOCAB, EMBED_DIM), dtype=jnp.float32)
    return {"senA": senA, "senB": senB, "table": table}

def reference(senA, senB, table):
    # Faithful translation of EmbeddingPadding: per-token word-vector lookup
    # for two sentence batches, producing padded dense [B, L, D] tensors.
    # With pre-tokenized fixed-length index batches this is a row-gather from
    # the embedding table (pad_sequence is a no-op at uniform max length).
    emb_a = jnp.take(table, senA, axis=0)  # [B, L, D]
    emb_b = jnp.take(table, senB, axis=0)  # [B, L, D]
    return (emb_a.astype(jnp.float32), emb_b.astype(jnp.float32))

if __name__ == "__main__":
    import jax
    _d = setup_inputs()
    print(jax.jit(kernel)(*tuple(_d.values())))

</pallas_src>

<mosaic_0001>
#map = affine_map<(d0, d1) -> (0, 0, 0)>
#map1 = affine_map<(d0, d1) -> (0, 0)>
module attributes {stable_mosaic.version = 14 : i64} {
  func.func @_body(%arg0: i32, %arg1: i32, %arg2: memref<32x50x128xi32, #tpu.memory_space<hbm>>, %arg3: memref<32x50x128xi32, #tpu.memory_space<hbm>>, %arg4: memref<100000x128xf32, #tpu.memory_space<hbm>>, %arg5: memref<50x4096x128xf32, #tpu.memory_space<hbm>>, %arg6: memref<50x4096x128xf32, #tpu.memory_space<hbm>>, %arg7: memref<50x128xi32, #tpu.memory_space<vmem>>, %arg8: memref<128x128xf32, #tpu.memory_space<vmem>>, %arg9: memref<128x128xf32, #tpu.memory_space<vmem>>, %arg10: memref<128x128xf32, #tpu.memory_space<vmem>>, %arg11: memref<128x128xf32, #tpu.memory_space<vmem>>, %arg12: memref<128x128xf32, #tpu.memory_space<vmem>>, %arg13: memref<!tpu.dma_semaphore, #tpu.memory_space<semaphore_mem>>, %arg14: memref<!tpu.dma_semaphore, #tpu.memory_space<semaphore_mem>>, %arg15: memref<!tpu.dma_semaphore, #tpu.memory_space<semaphore_mem>>, %arg16: memref<!tpu.dma_semaphore, #tpu.memory_space<semaphore_mem>>, %arg17: memref<!tpu.dma_semaphore, #tpu.memory_space<semaphore_mem>>, %arg18: memref<!tpu.dma_semaphore, #tpu.memory_space<semaphore_mem>>, %arg19: memref<!tpu.dma_semaphore, #tpu.memory_space<semaphore_mem>>, %arg20: memref<!tpu.dma_semaphore, #tpu.memory_space<semaphore_mem>>, %arg21: memref<!tpu.dma_semaphore, #tpu.memory_space<semaphore_mem>>, %arg22: memref<!tpu.dma_semaphore, #tpu.memory_space<semaphore_mem>>) attributes {dimension_semantics = [#tpu.dimension_semantics<core_parallel>, #tpu.dimension_semantics<subcore_parallel>], iteration_bounds = array<i64: 2, 16>, scalar_prefetch = 0 : i64, scratch_operands = 16 : i64, tpu.core_type = #tpu.core_type<sc_vector_subcore>, window_params = [{transform_indices = #map}, {transform_indices = #map}, {transform_indices = #map1}, {transform_indices = #map}, {transform_indices = #map}]} {
    %mul3A = arith.constant 2 : i32
    %mul3A_0 = arith.muli %arg1, %mul3A : i32
    %add3A = arith.addi %mul3A_0, %arg0 : i32
    %mul3A_1 = arith.constant 128 : i32
    %mul3A_2 = arith.muli %add3A, %mul3A_1 : i32
    "tpu.region"() ({
      %run_scoped3A = tpu.sem_alloc : memref<!tpu.dma_semaphore, #tpu.memory_space<semaphore_mem>>
      %dma_start3A_150 = arith.constant 0 : i32
      %dma_start3A_151 = arith.constant 0 : i32
      %dma_start3A_152 = tpu.memref_slice %arg2[%add3A, %dma_start3A_150, %dma_start3A_151] : memref<32x50x128xi32, #tpu.memory_space<hbm>> -> memref<1x50x128xi32, #tpu.memory_space<hbm>>
      %dma_start3A_153 = tpu.memref_squeeze %dma_start3A_152 : memref<1x50x128xi32, #tpu.memory_space<hbm>> -> memref<50x128xi32, #tpu.memory_space<hbm>>
      %dma_start3A_154 = arith.constant 0 : i32
      %dma_start3A_155 = arith.constant 0 : i32
      %dma_start3A_156 = tpu.memref_slice %arg2[%add3A, %dma_start3A_154, %dma_start3A_155] : memref<32x50x128xi32, #tpu.memory_space<hbm>> -> memref<1x50x128xi32, #tpu.memory_space<hbm>>
      %dma_start3A_157 = tpu.memref_squeeze %dma_start3A_156 : memref<1x50x128xi32, #tpu.memory_space<hbm>> -> memref<50x128xi32, #tpu.memory_space<hbm>>
      tpu.enqueue_dma source(%dma_start3A_157 : memref<50x128xi32, #tpu.memory_space<hbm>>) target(%arg7 : memref<50x128xi32, #tpu.memory_space<vmem>>) target_semaphore(%run_scoped3A : memref<!tpu.dma_semaphore, #tpu.memory_space<semaphore_mem>>)
      %dma_wait3A_158 = arith.constant 0 : i32
      %dma_wait3A_159 = arith.constant 0 : i32
      %dma_wait3A_160 = tpu.memref_slice %arg2[%add3A, %dma_wait3A_158, %dma_wait3A_159] : memref<32x50x128xi32, #tpu.memory_space<hbm>> -> memref<1x50x128xi32, #tpu.memory_space<hbm>>
      %dma_wait3A_161 = tpu.memref_squeeze %dma_wait3A_160 : memref<1x50x128xi32, #tpu.memory_space<hbm>> -> memref<50x128xi32, #tpu.memory_space<hbm>>
      %dma_wait3A_162 = arith.constant 0 : i32
      %dma_wait3A_163 = arith.constant 0 : i32
      %dma_wait3A_164 = tpu.memref_slice %arg2[%add3A, %dma_wait3A_162, %dma_wait3A_163] : memref<32x50x128xi32, #tpu.memory_space<hbm>> -> memref<1x50x128xi32, #tpu.memory_space<hbm>>
      %dma_wait3A_165 = tpu.memref_squeeze %dma_wait3A_164 : memref<1x50x128xi32, #tpu.memory_space<hbm>> -> memref<50x128xi32, #tpu.memory_space<hbm>>
      tpu.wait_dma2 semaphore(%run_scoped3A : memref<!tpu.dma_semaphore, #tpu.memory_space<semaphore_mem>>) src(%dma_wait3A_165 : memref<50x128xi32, #tpu.memory_space<hbm>>) dst(%arg7 : memref<50x128xi32, #tpu.memory_space<vmem>>)
      tpu.yield
    }) : () -> ()
    %dma_start3A = arith.constant 0 : i32
    %dma_start3A_3 = arith.constant 0 : i32
    %dma_start3A_4 = tpu.memref_slice %arg7[%dma_start3A, %dma_start3A_3] : memref<50x128xi32, #tpu.memory_space<vmem>> -> memref<1x128xi32, #tpu.memory_space<vmem>>
    %dma_start3A_5 = tpu.memref_squeeze %dma_start3A_4 : memref<1x128xi32, #tpu.memory_space<vmem>> -> memref<128xi32, #tpu.memory_space<vmem>>
    %dma_start3A_6 = arith.constant 0 : i32
    %dma_start3A_7 = arith.constant 0 : i32
    %dma_start3A_8 = tpu.memref_slice %arg4[%dma_start3A_6, %dma_start3A_7] : memref<100000x128xf32, #tpu.memory_space<hbm>> -> memref<100000x128xf32, #tpu.memory_space<hbm>>
    tpu.enqueue_indirect_dma source(%dma_start3A_8 : memref<100000x128xf32, #tpu.memory_space<hbm>>) target(%arg8 : memref<128x128xf32, #tpu.memory_space<vmem>>) offsets(%dma_start3A_5 : memref<128xi32, #tpu.memory_space<vmem>>) semaphore(%arg13 : memref<!tpu.dma_semaphore, #tpu.memory_space<semaphore_mem>>)
    %dma_start3A_9 = arith.constant 1 : i32
    %dma_start3A_10 = arith.constant 0 : i32
    %dma_start3A_11 = tpu.memref_slice %arg7[%dma_start3A_9, %dma_start3A_10] : memref<50x128xi32, #tpu.memory_space<vmem>> -> memref<1x128xi32, #tpu.memory_space<vmem>>
    %dma_start3A_12 = tpu.memref_squeeze %dma_start3A_11 : memref<1x128xi32, #tpu.memory_space<vmem>> -> memref<128xi32, #tpu.memory_space<vmem>>
    %dma_start3A_13 = arith.constant 0 : i32
    %dma_start3A_14 = arith.constant 0 : i32
    %dma_start3A_15 = tpu.memref_slice %arg4[%dma_start3A_13, %dma_start3A_14] : memref<100000x128xf32, #tpu.memory_space<hbm>> -> memref<100000x128xf32, #tpu.memory_space<hbm>>
    tpu.enqueue_indirect_dma source(%dma_start3A_15 : memref<100000x128xf32, #tpu.memory_space<hbm>>) target(%arg9 : memref<128x128xf32, #tpu.memory_space<vmem>>) offsets(%dma_start3A_12 : memref<128xi32, #tpu.memory_space<vmem>>) semaphore(%arg14 : memref<!tpu.dma_semaphore, #tpu.memory_space<semaphore_mem>>)
    %dma_start3A_16 = arith.constant 2 : i32
    %dma_start3A_17 = arith.constant 0 : i32
    %dma_start3A_18 = tpu.memref_slice %arg7[%dma_start3A_16, %dma_start3A_17] : memref<50x128xi32, #tpu.memory_space<vmem>> -> memref<1x128xi32, #tpu.memory_space<vmem>>
    %dma_start3A_19 = tpu.memref_squeeze %dma_start3A_18 : memref<1x128xi32, #tpu.memory_space<vmem>> -> memref<128xi32, #tpu.memory_space<vmem>>
    %dma_start3A_20 = arith.constant 0 : i32
    %dma_start3A_21 = arith.constant 0 : i32
    %dma_start3A_22 = tpu.memref_slice %arg4[%dma_start3A_20, %dma_start3A_21] : memref<100000x128xf32, #tpu.memory_space<hbm>> -> memref<100000x128xf32, #tpu.memory_space<hbm>>
    tpu.enqueue_indirect_dma source(%dma_start3A_22 : memref<100000x128xf32, #tpu.memory_space<hbm>>) target(%arg10 : memref<128x128xf32, #tpu.memory_space<vmem>>) offsets(%dma_start3A_19 : memref<128xi32, #tpu.memory_space<vmem>>) semaphore(%arg15 : memref<!tpu.dma_semaphore, #tpu.memory_space<semaphore_mem>>)
    %dma_start3A_23 = arith.constant 3 : i32
    %dma_start3A_24 = arith.constant 0 : i32
    %dma_start3A_25 = tpu.memref_slice %arg7[%dma_start3A_23, %dma_start3A_24] : memref<50x128xi32, #tpu.memory_space<vmem>> -> memref<1x128xi32, #tpu.memory_space<vmem>>
    %dma_start3A_26 = tpu.memref_squeeze %dma_start3A_25 : memref<1x128xi32, #tpu.memory_space<vmem>> -> memref<128xi32, #tpu.memory_space<vmem>>
    %dma_start3A_27 = arith.constant 0 : i32
    %dma_start3A_28 = arith.constant 0 : i32
    %dma_start3A_29 = tpu.memref_slice %arg4[%dma_start3A_27, %dma_start3A_28] : memref<100000x128xf32, #tpu.memory_space<hbm>> -> memref<100000x128xf32, #tpu.memory_space<hbm>>
    tpu.enqueue_indirect_dma source(%dma_start3A_29 : memref<100000x128xf32, #tpu.memory_space<hbm>>) target(%arg11 : memref<128x128xf32, #tpu.memory_space<vmem>>) offsets(%dma_start3A_26 : memref<128xi32, #tpu.memory_space<vmem>>) semaphore(%arg16 : memref<!tpu.dma_semaphore, #tpu.memory_space<semaphore_mem>>)
    %dma_start3A_30 = arith.constant 4 : i32
    %dma_start3A_31 = arith.constant 0 : i32
    %dma_start3A_32 = tpu.memref_slice %arg7[%dma_start3A_30, %dma_start3A_31] : memref<50x128xi32, #tpu.memory_space<vmem>> -> memref<1x128xi32, #tpu.memory_space<vmem>>
    %dma_start3A_33 = tpu.memref_squeeze %dma_start3A_32 : memref<1x128xi32, #tpu.memory_space<vmem>> -> memref<128xi32, #tpu.memory_space<vmem>>
    %dma_start3A_34 = arith.constant 0 : i32
    %dma_start3A_35 = arith.constant 0 : i32
    %dma_start3A_36 = tpu.memref_slice %arg4[%dma_start3A_34, %dma_start3A_35] : memref<100000x128xf32, #tpu.memory_space<hbm>> -> memref<100000x128xf32, #tpu.memory_space<hbm>>
    tpu.enqueue_indirect_dma source(%dma_start3A_36 : memref<100000x128xf32, #tpu.memory_space<hbm>>) target(%arg12 : memref<128x128xf32, #tpu.memory_space<vmem>>) offsets(%dma_start3A_33 : memref<128xi32, #tpu.memory_space<vmem>>) semaphore(%arg17 : memref<!tpu.dma_semaphore, #tpu.memory_space<semaphore_mem>>)
    %scan3A = arith.constant 0 : i32
    %scan3A_37 = arith.constant 10 : i32
    %scan3A_38 = arith.addi %scan3A, %scan3A_37 : i32
    %scan3A_39 = arith.constant 1 : i32
    scf.for %scan3A_150 = %scan3A to %scan3A_38 step %scan3A_39  : i32 {
      %mul3A_151 = arith.constant 5 : i32
      %mul3A_152 = arith.muli %scan3A_150, %mul3A_151 : i32
      %add3A_153 = arith.constant 0 : i32
      %add3A_154 = arith.addi %mul3A_152, %add3A_153 : i32
      %dma_wait3A_155 = arith.constant 0 : i32
      %dma_wait3A_156 = tpu.memref_slice %arg7[%add3A_154, %dma_wait3A_155] : memref<50x128xi32, #tpu.memory_space<vmem>> -> memref<1x128xi32, #tpu.memory_space<vmem>>
      %dma_wait3A_157 = tpu.memref_squeeze %dma_wait3A_156 : memref<1x128xi32, #tpu.memory_space<vmem>> -> memref<128xi32, #tpu.memory_space<vmem>>
      %dma_wait3A_158 = arith.constant 0 : i32
      %dma_wait3A_159 = arith.constant 0 : i32
      %dma_wait3A_160 = tpu.memref_slice %arg4[%dma_wait3A_158, %dma_wait3A_159] : memref<100000x128xf32, #tpu.memory_space<hbm>> -> memref<100000x128xf32, #tpu.memory_space<hbm>>
      tpu.wait_indirect_dma semaphore(%arg13 : memref<!tpu.dma_semaphore, #tpu.memory_space<semaphore_mem>>) src(%dma_wait3A_160 : memref<100000x128xf32, #tpu.memory_space<hbm>>) dst(%arg8 : memref<128x128xf32, #tpu.memory_space<vmem>>)
      %dma_start3A_161 = arith.constant 0 : i32
      %dma_start3A_162 = tpu.memref_slice %arg5[%add3A_154, %mul3A_2, %dma_start3A_161] : memref<50x4096x128xf32, #tpu.memory_space<hbm>> -> memref<1x128x128xf32, #tpu.memory_space<hbm>>
      %dma_start3A_163 = tpu.memref_squeeze %dma_start3A_162 : memref<1x128x128xf32, #tpu.memory_space<hbm>> -> memref<128x128xf32, #tpu.memory_space<hbm>>
      %dma_start3A_164 = arith.constant 0 : i32
      %dma_start3A_165 = tpu.memref_slice %arg5[%add3A_154, %mul3A_2, %dma_start3A_164] : memref<50x4096x128xf32, #tpu.memory_space<hbm>> -> memref<1x128x128xf32, #tpu.memory_space<hbm>>
      %dma_start3A_166 = tpu.memref_squeeze %dma_start3A_165 : memref<1x128x128xf32, #tpu.memory_space<hbm>> -> memref<128x128xf32, #tpu.memory_space<hbm>>
      tpu.enqueue_dma source(%arg8 : memref<128x128xf32, #tpu.memory_space<vmem>>) target(%dma_start3A_166 : memref<128x128xf32, #tpu.memory_space<hbm>>) target_semaphore(%arg18 : memref<!tpu.dma_semaphore, #tpu.memory_space<semaphore_mem>>)
      %sub3A = arith.constant 2 : i32
      %sub3A_167 = arith.subi %add3A_154, %sub3A : i32
      %add3A_168 = arith.constant 5 : i32
      %add3A_169 = arith.addi %sub3A_167, %add3A_168 : i32
      %ge3A = arith.constant 2 : i32
      %ge3A_170 = arith.cmpi sge, %add3A_154, %ge3A : i32
      %lt3A = arith.constant 50 : i32
      %lt3A_171 = arith.cmpi slt, %add3A_169, %lt3A : i32
      %and3A = arith.andi %ge3A_170, %lt3A_171 : i1
      %convert_element_type3A = arith.extui %and3A : i1 to i32
      %cond3A = arith.constant 0 : i32
      %cond3A_172 = arith.cmpi ne, %convert_element_type3A, %cond3A : i32
      scf.if %cond3A_172 {
        %sub3A_277 = arith.constant 2 : i32
        %sub3A_278 = arith.subi %add3A_154, %sub3A_277 : i32
        %dma_wait3A_279 = arith.constant 0 : i32
        %dma_wait3A_280 = tpu.memref_slice %arg5[%sub3A_278, %mul3A_2, %dma_wait3A_279] : memref<50x4096x128xf32, #tpu.memory_space<hbm>> -> memref<1x128x128xf32, #tpu.memory_space<hbm>>
        %dma_wait3A_281 = tpu.memref_squeeze %dma_wait3A_280 : memref<1x128x128xf32, #tpu.memory_space<hbm>> -> memref<128x128xf32, #tpu.memory_space<hbm>>
        %dma_wait3A_282 = arith.constant 0 : i32
        %dma_wait3A_283 = tpu.memref_slice %arg5[%sub3A_278, %mul3A_2, %dma_wait3A_282] : memref<50x4096x128xf32, #tpu.memory_space<hbm>> -> memref<1x128x128xf32, #tpu.memory_space<hbm>>
        %dma_wait3A_284 = tpu.memref_squeeze %dma_wait3A_283 : memref<1x128x128xf32, #tpu.memory_space<hbm>> -> memref<128x128xf32, #tpu.memory_space<hbm>>
        tpu.wait_dma2 semaphore(%arg21 : memref<!tpu.dma_semaphore, #tpu.memory_space<semaphore_mem>>) src(%arg11 : memref<128x128xf32, #tpu.memory_space<vmem>>) dst(%dma_wait3A_284 : memref<128x128xf32, #tpu.memory_space<hbm>>)
        %dma_start3A_285 = arith.constant 0 : i32
        %dma_start3A_286 = tpu.memref_slice %arg7[%add3A_169, %dma_start3A_285] : memref<50x128xi32, #tpu.memory_space<vmem>> -> memref<1x128xi32, #tpu.memory_space<vmem>>
        %dma_start3A_287 = tpu.memref_squeeze %dma_start3A_286 : memref<1x128xi32, #tpu.memory_space<vmem>> -> memref<128xi32, #tpu.memory_space<vmem>>
        %dma_start3A_288 = arith.constant 0 : i32
        %dma_start3A_289 = arith.constant 0 : i32
        %dma_start3A_290 = tpu.memref_slice %arg4[%dma_start3A_288, %dma_start3A_289] : memref<100000x128xf32, #tpu.memory_space<hbm>> -> memref<100000x128xf32, #tpu.memory_space<hbm>>
        tpu.enqueue_indirect_dma source(%dma_start3A_290 : memref<100000x128xf32, #tpu.memory_space<hbm>>) target(%arg11 : memref<128x128xf32, #tpu.memory_space<vmem>>) offsets(%dma_start3A_287 : memref<128xi32, #tpu.memory_space<vmem>>) semaphore(%arg16 : memref<!tpu.dma_semaphore, #tpu.memory_space<semaphore_mem>>)
      } else {
      }
      %add3A_173 = arith.constant 1 : i32
      %add3A_174 = arith.addi %mul3A_152, %add3A_173 : i32
      %dma_wait3A_175 = arith.constant 0 : i32
      %dma_wait3A_176 = tpu.memref_slice %arg7[%add3A_174, %dma_wait3A_175] : memref<50x128xi32, #tpu.memory_space<vmem>> -> memref<1x128xi32, #tpu.memory_space<vmem>>
      %dma_wait3A_177 = tpu.memref_squeeze %dma_wait3A_176 : memref<1x128xi32, #tpu.memory_space<vmem>> -> memref<128xi32, #tpu.memory_space<vmem>>
      %dma_wait3A_178 = arith.constant 0 : i32
      %dma_wait3A_179 = arith.constant 0 : i32
      %dma_wait3A_180 = tpu.memref_slice %arg4[%dma_wait3A_178, %dma_wait3A_179] : memref<100000x128xf32, #tpu.memory_space<hbm>> -> memref<100000x128xf32, #tpu.memory_space<hbm>>
      tpu.wait_indirect_dma semaphore(%arg14 : memref<!tpu.dma_semaphore, #tpu.memory_space<semaphore_mem>>) src(%dma_wait3A_180 : memref<100000x128xf32, #tpu.memory_space<hbm>>) dst(%arg9 : memref<128x128xf32, #tpu.memory_space<vmem>>)
      %dma_start3A_181 = arith.constant 0 : i32
      %dma_start3A_182 = tpu.memref_slice %arg5[%add3A_174, %mul3A_2, %dma_start3A_181] : memref<50x4096x128xf32, #tpu.memory_space<hbm>> -> memref<1x128x128xf32, #tpu.memory_space<hbm>>
      %dma_start3A_183 = tpu.memref_squeeze %dma_start3A_182 : memref<1x128x128xf32, #tpu.memory_space<hbm>> -> memref<128x128xf32, #tpu.memory_space<hbm>>
      %dma_start3A_184 = arith.constant 0 : i32
      %dma_start3A_185 = tpu.memref_slice %arg5[%add3A_174, %mul3A_2, %dma_start3A_184] : memref<50x4096x128xf32, #tpu.memory_space<hbm>> -> memref<1x128x128xf32, #tpu.memory_space<hbm>>
      %dma_start3A_186 = tpu.memref_squeeze %dma_start3A_185 : memref<1x128x128xf32, #tpu.memory_space<hbm>> -> memref<128x128xf32, #tpu.memory_space<hbm>>
      tpu.enqueue_dma source(%arg9 : memref<128x128xf32, #tpu.memory_space<vmem>>) target(%dma_start3A_186 : memref<128x128xf32, #tpu.memory_space<hbm>>) target_semaphore(%arg19 : memref<!tpu.dma_semaphore, #tpu.memory_space<semaphore_mem>>)
      %sub3A_187 = arith.constant 2 : i32
      %sub3A_188 = arith.subi %add3A_174, %sub3A_187 : i32
      %add3A_189 = arith.constant 5 : i32
      %add3A_190 = arith.addi %sub3A_188, %add3A_189 : i32
      %ge3A_191 = arith.constant 2 : i32
      %ge3A_192 = arith.cmpi sge, %add3A_174, %ge3A_191 : i32
      %lt3A_193 = arith.constant 50 : i32
      %lt3A_194 = arith.cmpi slt, %add3A_190, %lt3A_193 : i32
      %and3A_195 = arith.andi %ge3A_192, %lt3A_194 : i1
      %convert_element_type3A_196 = arith.extui %and3A_195 : i1 to i32
      %cond3A_197 = arith.constant 0 : i32
      %cond3A_198 = arith.cmpi ne, %convert_element_type3A_196, %cond3A_197 : i32
      scf.if %cond3A_198 {
        %sub3A_277 = arith.constant 2 : i32
        %sub3A_278 = arith.subi %add3A_174, %sub3A_277 : i32
        %dma_wait3A_279 = arith.constant 0 : i32
        %dma_wait3A_280 = tpu.memref_slice %arg5[%sub3A_278, %mul3A_2, %dma_wait3A_279] : memref<50x4096x128xf32, #tpu.memory_space<hbm>> -> memref<1x128x128xf32, #tpu.memory_space<hbm>>
        %dma_wait3A_281 = tpu.memref_squeeze %dma_wait3A_280 : memref<1x128x128xf32, #tpu.memory_space<hbm>> -> memref<128x128xf32, #tpu.memory_space<hbm>>
        %dma_wait3A_282 = arith.constant 0 : i32
        %dma_wait3A_283 = tpu.memref_slice %arg5[%sub3A_278, %mul3A_2, %dma_wait3A_282] : memref<50x4096x128xf32, #tpu.memory_space<hbm>> -> memref<1x128x128xf32, #tpu.memory_space<hbm>>
        %dma_wait3A_284 = tpu.memref_squeeze %dma_wait3A_283 : memref<1x128x128xf32, #tpu.memory_space<hbm>> -> memref<128x128xf32, #tpu.memory_space<hbm>>
        tpu.wait_dma2 semaphore(%arg22 : memref<!tpu.dma_semaphore, #tpu.memory_space<semaphore_mem>>) src(%arg12 : memref<128x128xf32, #tpu.memory_space<vmem>>) dst(%dma_wait3A_284 : memref<128x128xf32, #tpu.memory_space<hbm>>)
        %dma_start3A_285 = arith.constant 0 : i32
        %dma_start3A_286 = tpu.memref_slice %arg7[%add3A_190, %dma_start3A_285] : memref<50x128xi32, #tpu.memory_space<vmem>> -> memref<1x128xi32, #tpu.memory_space<vmem>>
        %dma_start3A_287 = tpu.memref_squeeze %dma_start3A_286 : memref<1x128xi32, #tpu.memory_space<vmem>> -> memref<128xi32, #tpu.memory_space<vmem>>
        %dma_start3A_288 = arith.constant 0 : i32
        %dma_start3A_289 = arith.constant 0 : i32
        %dma_start3A_290 = tpu.memref_slice %arg4[%dma_start3A_288, %dma_start3A_289] : memref<100000x128xf32, #tpu.memory_space<hbm>> -> memref<100000x128xf32, #tpu.memory_space<hbm>>
        tpu.enqueue_indirect_dma source(%dma_start3A_290 : memref<100000x128xf32, #tpu.memory_space<hbm>>) target(%arg12 : memref<128x128xf32, #tpu.memory_space<vmem>>) offsets(%dma_start3A_287 : memref<128xi32, #tpu.memory_space<vmem>>) semaphore(%arg17 : memref<!tpu.dma_semaphore, #tpu.memory_space<semaphore_mem>>)
      } else {
      }
      %add3A_199 = arith.constant 2 : i32
      %add3A_200 = arith.addi %mul3A_152, %add3A_199 : i32
      %dma_wait3A_201 = arith.constant 0 : i32
      %dma_wait3A_202 = tpu.memref_slice %arg7[%add3A_200, %dma_wait3A_201] : memref<50x128xi32, #tpu.memory_space<vmem>> -> memref<1x128xi32, #tpu.memory_space<vmem>>
      %dma_wait3A_203 = tpu.memref_squeeze %dma_wait3A_202 : memref<1x128xi32, #tpu.memory_space<vmem>> -> memref<128xi32, #tpu.memory_space<vmem>>
      %dma_wait3A_204 = arith.constant 0 : i32
      %dma_wait3A_205 = arith.constant 0 : i32
      %dma_wait3A_206 = tpu.memref_slice %arg4[%dma_wait3A_204, %dma_wait3A_205] : memref<100000x128xf32, #tpu.memory_space<hbm>> -> memref<100000x128xf32, #tpu.memory_space<hbm>>
      tpu.wait_indirect_dma semaphore(%arg15 : memref<!tpu.dma_semaphore, #tpu.memory_space<semaphore_mem>>) src(%dma_wait3A_206 : memref<100000x128xf32, #tpu.memory_space<hbm>>) dst(%arg10 : memref<128x128xf32, #tpu.memory_space<vmem>>)
      %dma_start3A_207 = arith.constant 0 : i32
      %dma_start3A_208 = tpu.memref_slice %arg5[%add3A_200, %mul3A_2, %dma_start3A_207] : memref<50x4096x128xf32, #tpu.memory_space<hbm>> -> memref<1x128x128xf32, #tpu.memory_space<hbm>>
      %dma_start3A_209 = tpu.memref_squeeze %dma_start3A_208 : memref<1x128x128xf32, #tpu.memory_space<hbm>> -> memref<128x128xf32, #tpu.memory_space<hbm>>
      %dma_start3A_210 = arith.constant 0 : i32
      %dma_start3A_211 = tpu.memref_slice %arg5[%add3A_200, %mul3A_2, %dma_start3A_210] : memref<50x4096x128xf32, #tpu.memory_space<hbm>> -> memref<1x128x128xf32, #tpu.memory_space<hbm>>
      %dma_start3A_212 = tpu.memref_squeeze %dma_start3A_211 : memref<1x128x128xf32, #tpu.memory_space<hbm>> -> memref<128x128xf32, #tpu.memory_space<hbm>>
      tpu.enqueue_dma source(%arg10 : memref<128x128xf32, #tpu.memory_space<vmem>>) target(%dma_start3A_212 : memref<128x128xf32, #tpu.memory_space<hbm>>) target_semaphore(%arg20 : memref<!tpu.dma_semaphore, #tpu.memory_space<semaphore_mem>>)
      %sub3A_213 = arith.constant 2 : i32
      %sub3A_214 = arith.subi %add3A_200, %sub3A_213 : i32
      %add3A_215 = arith.constant 5 : i32
      %add3A_216 = arith.addi %sub3A_214, %add3A_215 : i32
      %ge3A_217 = arith.constant 2 : i32
      %ge3A_218 = arith.cmpi sge, %add3A_200, %ge3A_217 : i32
      %lt3A_219 = arith.constant 50 : i32
      %lt3A_220 = arith.cmpi slt, %add3A_216, %lt3A_219 : i32
      %and3A_221 = arith.andi %ge3A_218, %lt3A_220 : i1
      %convert_element_type3A_222 = arith.extui %and3A_221 : i1 to i32
      %cond3A_223 = arith.constant 0 : i32
      %cond3A_224 = arith.cmpi ne, %convert_element_type3A_222, %cond3A_223 : i32
      scf.if %cond3A_224 {
        %sub3A_277 = arith.constant 2 : i32
        %sub3A_278 = arith.subi %add3A_200, %sub3A_277 : i32
        %dma_wait3A_279 = arith.constant 0 : i32
        %dma_wait3A_280 = tpu.memref_slice %arg5[%sub3A_278, %mul3A_2, %dma_wait3A_279] : memref<50x4096x128xf32, #tpu.memory_space<hbm>> -> memref<1x128x128xf32, #tpu.memory_space<hbm>>
        %dma_wait3A_281 = tpu.memref_squeeze %dma_wait3A_280 : memref<1x128x128xf32, #tpu.memory_space<hbm>> -> memref<128x128xf32, #tpu.memory_space<hbm>>
        %dma_wait3A_282 = arith.constant 0 : i32
        %dma_wait3A_283 = tpu.memref_slice %arg5[%sub3A_278, %mul3A_2, %dma_wait3A_282] : memref<50x4096x128xf32, #tpu.memory_space<hbm>> -> memref<1x128x128xf32, #tpu.memory_space<hbm>>
        %dma_wait3A_284 = tpu.memref_squeeze %dma_wait3A_283 : memref<1x128x128xf32, #tpu.memory_space<hbm>> -> memref<128x128xf32, #tpu.memory_space<hbm>>
        tpu.wait_dma2 semaphore(%arg18 : memref<!tpu.dma_semaphore, #tpu.memory_space<semaphore_mem>>) src(%arg8 : memref<128x128xf32, #tpu.memory_space<vmem>>) dst(%dma_wait3A_284 : memref<128x128xf32, #tpu.memory_space<hbm>>)
        %dma_start3A_285 = arith.constant 0 : i32
        %dma_start3A_286 = tpu.memref_slice %arg7[%add3A_216, %dma_start3A_285] : memref<50x128xi32, #tpu.memory_space<vmem>> -> memref<1x128xi32, #tpu.memory_space<vmem>>
        %dma_start3A_287 = tpu.memref_squeeze %dma_start3A_286 : memref<1x128xi32, #tpu.memory_space<vmem>> -> memref<128xi32, #tpu.memory_space<vmem>>
        %dma_start3A_288 = arith.constant 0 : i32
        %dma_start3A_289 = arith.constant 0 : i32
        %dma_start3A_290 = tpu.memref_slice %arg4[%dma_start3A_288, %dma_start3A_289] : memref<100000x128xf32, #tpu.memory_space<hbm>> -> memref<100000x128xf32, #tpu.memory_space<hbm>>
        tpu.enqueue_indirect_dma source(%dma_start3A_290 : memref<100000x128xf32, #tpu.memory_space<hbm>>) target(%arg8 : memref<128x128xf32, #tpu.memory_space<vmem>>) offsets(%dma_start3A_287 : memref<128xi32, #tpu.memory_space<vmem>>) semaphore(%arg13 : memref<!tpu.dma_semaphore, #tpu.memory_space<semaphore_mem>>)
      } else {
      }
      %add3A_225 = arith.constant 3 : i32
      %add3A_226 = arith.addi %mul3A_152, %add3A_225 : i32
      %dma_wait3A_227 = arith.constant 0 : i32
      %dma_wait3A_228 = tpu.memref_slice %arg7[%add3A_226, %dma_wait3A_227] : memref<50x128xi32, #tpu.memory_space<vmem>> -> memref<1x128xi32, #tpu.memory_space<vmem>>
      %dma_wait3A_229 = tpu.memref_squeeze %dma_wait3A_228 : memref<1x128xi32, #tpu.memory_space<vmem>> -> memref<128xi32, #tpu.memory_space<vmem>>
      %dma_wait3A_230 = arith.constant 0 : i32
      %dma_wait3A_231 = arith.constant 0 : i32
      %dma_wait3A_232 = tpu.memref_slice %arg4[%dma_wait3A_230, %dma_wait3A_231] : memref<100000x128xf32, #tpu.memory_space<hbm>> -> memref<100000x128xf32, #tpu.memory_space<hbm>>
      tpu.wait_indirect_dma semaphore(%arg16 : memref<!tpu.dma_semaphore, #tpu.memory_space<semaphore_mem>>) src(%dma_wait3A_232 : memref<100000x128xf32, #tpu.memory_space<hbm>>) dst(%arg11 : memref<128x128xf32, #tpu.memory_space<vmem>>)
      %dma_start3A_233 = arith.constant 0 : i32
      %dma_start3A_234 = tpu.memref_slice %arg5[%add3A_226, %mul3A_2, %dma_start3A_233] : memref<50x4096x128xf32, #tpu.memory_space<hbm>> -> memref<1x128x128xf32, #tpu.memory_space<hbm>>
      %dma_start3A_235 = tpu.memref_squeeze %dma_start3A_234 : memref<1x128x128xf32, #tpu.memory_space<hbm>> -> memref<128x128xf32, #tpu.memory_space<hbm>>
      %dma_start3A_236 = arith.constant 0 : i32
      %dma_start3A_237 = tpu.memref_slice %arg5[%add3A_226, %mul3A_2, %dma_start3A_236] : memref<50x4096x128xf32, #tpu.memory_space<hbm>> -> memref<1x128x128xf32, #tpu.memory_space<hbm>>
      %dma_start3A_238 = tpu.memref_squeeze %dma_start3A_237 : memref<1x128x128xf32, #tpu.memory_space<hbm>> -> memref<128x128xf32, #tpu.memory_space<hbm>>
      tpu.enqueue_dma source(%arg11 : memref<128x128xf32, #tpu.memory_space<vmem>>) target(%dma_start3A_238 : memref<128x128xf32, #tpu.memory_space<hbm>>) target_semaphore(%arg21 : memref<!tpu.dma_semaphore, #tpu.memory_space<semaphore_mem>>)
      %sub3A_239 = arith.constant 2 : i32
      %sub3A_240 = arith.subi %add3A_226, %sub3A_239 : i32
      %add3A_241 = arith.constant 5 : i32
      %add3A_242 = arith.addi %sub3A_240, %add3A_241 : i32
      %ge3A_243 = arith.constant 2 : i32
      %ge3A_244 = arith.cmpi sge, %add3A_226, %ge3A_243 : i32
      %lt3A_245 = arith.constant 50 : i32
      %lt3A_246 = arith.cmpi slt, %add3A_242, %lt3A_245 : i32
      %and3A_247 = arith.andi %ge3A_244, %lt3A_246 : i1
      %convert_element_type3A_248 = arith.extui %and3A_247 : i1 to i32
      %cond3A_249 = arith.constant 0 : i32
      %cond3A_250 = arith.cmpi ne, %convert_element_type3A_248, %cond3A_249 : i32
      scf.if %cond3A_250 {
        %sub3A_277 = arith.constant 2 : i32
        %sub3A_278 = arith.subi %add3A_226, %sub3A_277 : i32
        %dma_wait3A_279 = arith.constant 0 : i32
        %dma_wait3A_280 = tpu.memref_slice %arg5[%sub3A_278, %mul3A_2, %dma_wait3A_279] : memref<50x4096x128xf32, #tpu.memory_space<hbm>> -> memref<1x128x128xf32, #tpu.memory_space<hbm>>
        %dma_wait3A_281 = tpu.memref_squeeze %dma_wait3A_280 : memref<1x128x128xf32, #tpu.memory_space<hbm>> -> memref<128x128xf32, #tpu.memory_space<hbm>>
        %dma_wait3A_282 = arith.constant 0 : i32
        %dma_wait3A_283 = tpu.memref_slice %arg5[%sub3A_278, %mul3A_2, %dma_wait3A_282] : memref<50x4096x128xf32, #tpu.memory_space<hbm>> -> memref<1x128x128xf32, #tpu.memory_space<hbm>>
        %dma_wait3A_284 = tpu.memref_squeeze %dma_wait3A_283 : memref<1x128x128xf32, #tpu.memory_space<hbm>> -> memref<128x128xf32, #tpu.memory_space<hbm>>
        tpu.wait_dma2 semaphore(%arg19 : memref<!tpu.dma_semaphore, #tpu.memory_space<semaphore_mem>>) src(%arg9 : memref<128x128xf32, #tpu.memory_space<vmem>>) dst(%dma_wait3A_284 : memref<128x128xf32, #tpu.memory_space<hbm>>)
        %dma_start3A_285 = arith.constant 0 : i32
        %dma_start3A_286 = tpu.memref_slice %arg7[%add3A_242, %dma_start3A_285] : memref<50x128xi32, #tpu.memory_space<vmem>> -> memref<1x128xi32, #tpu.memory_space<vmem>>
        %dma_start3A_287 = tpu.memref_squeeze %dma_start3A_286 : memref<1x128xi32, #tpu.memory_space<vmem>> -> memref<128xi32, #tpu.memory_space<vmem>>
        %dma_start3A_288 = arith.constant 0 : i32
        %dma_start3A_289 = arith.constant 0 : i32
        %dma_start3A_290 = tpu.memref_slice %arg4[%dma_start3A_288, %dma_start3A_289] : memref<100000x128xf32, #tpu.memory_space<hbm>> -> memref<100000x128xf32, #tpu.memory_space<hbm>>
        tpu.enqueue_indirect_dma source(%dma_start3A_290 : memref<100000x128xf32, #tpu.memory_space<hbm>>) target(%arg9 : memref<128x128xf32, #tpu.memory_space<vmem>>) offsets(%dma_start3A_287 : memref<128xi32, #tpu.memory_space<vmem>>) semaphore(%arg14 : memref<!tpu.dma_semaphore, #tpu.memory_space<semaphore_mem>>)
      } else {
      }
      %add3A_251 = arith.constant 4 : i32
      %add3A_252 = arith.addi %mul3A_152, %add3A_251 : i32
      %dma_wait3A_253 = arith.constant 0 : i32
      %dma_wait3A_254 = tpu.memref_slice %arg7[%add3A_252, %dma_wait3A_253] : memref<50x128xi32, #tpu.memory_space<vmem>> -> memref<1x128xi32, #tpu.memory_space<vmem>>
      %dma_wait3A_255 = tpu.memref_squeeze %dma_wait3A_254 : memref<1x128xi32, #tpu.memory_space<vmem>> -> memref<128xi32, #tpu.memory_space<vmem>>
      %dma_wait3A_256 = arith.constant 0 : i32
      %dma_wait3A_257 = arith.constant 0 : i32
      %dma_wait3A_258 = tpu.memref_slice %arg4[%dma_wait3A_256, %dma_wait3A_257] : memref<100000x128xf32, #tpu.memory_space<hbm>> -> memref<100000x128xf32, #tpu.memory_space<hbm>>
      tpu.wait_indirect_dma semaphore(%arg17 : memref<!tpu.dma_semaphore, #tpu.memory_space<semaphore_mem>>) src(%dma_wait3A_258 : memref<100000x128xf32, #tpu.memory_space<hbm>>) dst(%arg12 : memref<128x128xf32, #tpu.memory_space<vmem>>)
      %dma_start3A_259 = arith.constant 0 : i32
      %dma_start3A_260 = tpu.memref_slice %arg5[%add3A_252, %mul3A_2, %dma_start3A_259] : memref<50x4096x128xf32, #tpu.memory_space<hbm>> -> memref<1x128x128xf32, #tpu.memory_space<hbm>>
      %dma_start3A_261 = tpu.memref_squeeze %dma_start3A_260 : memref<1x128x128xf32, #tpu.memory_space<hbm>> -> memref<128x128xf32, #tpu.memory_space<hbm>>
      %dma_start3A_262 = arith.constant 0 : i32
      %dma_start3A_263 = tpu.memref_slice %arg5[%add3A_252, %mul3A_2, %dma_start3A_262] : memref<50x4096x128xf32, #tpu.memory_space<hbm>> -> memref<1x128x128xf32, #tpu.memory_space<hbm>>
      %dma_start3A_264 = tpu.memref_squeeze %dma_start3A_263 : memref<1x128x128xf32, #tpu.memory_space<hbm>> -> memref<128x128xf32, #tpu.memory_space<hbm>>
      tpu.enqueue_dma source(%arg12 : memref<128x128xf32, #tpu.memory_space<vmem>>) target(%dma_start3A_264 : memref<128x128xf32, #tpu.memory_space<hbm>>) target_semaphore(%arg22 : memref<!tpu.dma_semaphore, #tpu.memory_space<semaphore_mem>>)
      %sub3A_265 = arith.constant 2 : i32
      %sub3A_266 = arith.subi %add3A_252, %sub3A_265 : i32
      %add3A_267 = arith.constant 5 : i32
      %add3A_268 = arith.addi %sub3A_266, %add3A_267 : i32
      %ge3A_269 = arith.constant 2 : i32
      %ge3A_270 = arith.cmpi sge, %add3A_252, %ge3A_269 : i32
      %lt3A_271 = arith.constant 50 : i32
      %lt3A_272 = arith.cmpi slt, %add3A_268, %lt3A_271 : i32
      %and3A_273 = arith.andi %ge3A_270, %lt3A_272 : i1
      %convert_element_type3A_274 = arith.extui %and3A_273 : i1 to i32
      %cond3A_275 = arith.constant 0 : i32
      %cond3A_276 = arith.cmpi ne, %convert_element_type3A_274, %cond3A_275 : i32
      scf.if %cond3A_276 {
        %sub3A_277 = arith.constant 2 : i32
        %sub3A_278 = arith.subi %add3A_252, %sub3A_277 : i32
        %dma_wait3A_279 = arith.constant 0 : i32
        %dma_wait3A_280 = tpu.memref_slice %arg5[%sub3A_278, %mul3A_2, %dma_wait3A_279] : memref<50x4096x128xf32, #tpu.memory_space<hbm>> -> memref<1x128x128xf32, #tpu.memory_space<hbm>>
        %dma_wait3A_281 = tpu.memref_squeeze %dma_wait3A_280 : memref<1x128x128xf32, #tpu.memory_space<hbm>> -> memref<128x128xf32, #tpu.memory_space<hbm>>
        %dma_wait3A_282 = arith.constant 0 : i32
        %dma_wait3A_283 = tpu.memref_slice %arg5[%sub3A_278, %mul3A_2, %dma_wait3A_282] : memref<50x4096x128xf32, #tpu.memory_space<hbm>> -> memref<1x128x128xf32, #tpu.memory_space<hbm>>
        %dma_wait3A_284 = tpu.memref_squeeze %dma_wait3A_283 : memref<1x128x128xf32, #tpu.memory_space<hbm>> -> memref<128x128xf32, #tpu.memory_space<hbm>>
        tpu.wait_dma2 semaphore(%arg20 : memref<!tpu.dma_semaphore, #tpu.memory_space<semaphore_mem>>) src(%arg10 : memref<128x128xf32, #tpu.memory_space<vmem>>) dst(%dma_wait3A_284 : memref<128x128xf32, #tpu.memory_space<hbm>>)
        %dma_start3A_285 = arith.constant 0 : i32
        %dma_start3A_286 = tpu.memref_slice %arg7[%add3A_268, %dma_start3A_285] : memref<50x128xi32, #tpu.memory_space<vmem>> -> memref<1x128xi32, #tpu.memory_space<vmem>>
        %dma_start3A_287 = tpu.memref_squeeze %dma_start3A_286 : memref<1x128xi32, #tpu.memory_space<vmem>> -> memref<128xi32, #tpu.memory_space<vmem>>
        %dma_start3A_288 = arith.constant 0 : i32
        %dma_start3A_289 = arith.constant 0 : i32
        %dma_start3A_290 = tpu.memref_slice %arg4[%dma_start3A_288, %dma_start3A_289] : memref<100000x128xf32, #tpu.memory_space<hbm>> -> memref<100000x128xf32, #tpu.memory_space<hbm>>
        tpu.enqueue_indirect_dma source(%dma_start3A_290 : memref<100000x128xf32, #tpu.memory_space<hbm>>) target(%arg10 : memref<128x128xf32, #tpu.memory_space<vmem>>) offsets(%dma_start3A_287 : memref<128xi32, #tpu.memory_space<vmem>>) semaphore(%arg15 : memref<!tpu.dma_semaphore, #tpu.memory_space<semaphore_mem>>)
      } else {
      }
    }
    %scan3A_40 = arith.constant 10 : i32
    %dma_wait3A = arith.constant 45 : i32
    %dma_wait3A_41 = arith.constant 0 : i32
    %dma_wait3A_42 = tpu.memref_slice %arg5[%dma_wait3A, %mul3A_2, %dma_wait3A_41] : memref<50x4096x128xf32, #tpu.memory_space<hbm>> -> memref<1x128x128xf32, #tpu.memory_space<hbm>>
    %dma_wait3A_43 = tpu.memref_squeeze %dma_wait3A_42 : memref<1x128x128xf32, #tpu.memory_space<hbm>> -> memref<128x128xf32, #tpu.memory_space<hbm>>
    %dma_wait3A_44 = arith.constant 0 : i32
    %dma_wait3A_45 = tpu.memref_slice %arg5[%dma_wait3A, %mul3A_2, %dma_wait3A_44] : memref<50x4096x128xf32, #tpu.memory_space<hbm>> -> memref<1x128x128xf32, #tpu.memory_space<hbm>>
    %dma_wait3A_46 = tpu.memref_squeeze %dma_wait3A_45 : memref<1x128x128xf32, #tpu.memory_space<hbm>> -> memref<128x128xf32, #tpu.memory_space<hbm>>
    tpu.wait_dma2 semaphore(%arg18 : memref<!tpu.dma_semaphore, #tpu.memory_space<semaphore_mem>>) src(%arg8 : memref<128x128xf32, #tpu.memory_space<vmem>>) dst(%dma_wait3A_46 : memref<128x128xf32, #tpu.memory_space<hbm>>)
    %dma_wait3A_47 = arith.constant 46 : i32
    %dma_wait3A_48 = arith.constant 0 : i32
    %dma_wait3A_49 = tpu.memref_slice %arg5[%dma_wait3A_47, %mul3A_2, %dma_wait3A_48] : memref<50x4096x128xf32, #tpu.memory_space<hbm>> -> memref<1x128x128xf32, #tpu.memory_space<hbm>>
    %dma_wait3A_50 = tpu.memref_squeeze %dma_wait3A_49 : memref<1x128x128xf32, #tpu.memory_space<hbm>> -> memref<128x128xf32, #tpu.memory_space<hbm>>
    %dma_wait3A_51 = arith.constant 0 : i32
    %dma_wait3A_52 = tpu.memref_slice %arg5[%dma_wait3A_47, %mul3A_2, %dma_wait3A_51] : memref<50x4096x128xf32, #tpu.memory_space<hbm>> -> memref<1x128x128xf32, #tpu.memory_space<hbm>>
    %dma_wait3A_53 = tpu.memref_squeeze %dma_wait3A_52 : memref<1x128x128xf32, #tpu.memory_space<hbm>> -> memref<128x128xf32, #tpu.memory_space<hbm>>
    tpu.wait_dma2 semaphore(%arg19 : memref<!tpu.dma_semaphore, #tpu.memory_space<semaphore_mem>>) src(%arg9 : memref<128x128xf32, #tpu.memory_space<vmem>>) dst(%dma_wait3A_53 : memref<128x128xf32, #tpu.memory_space<hbm>>)
    %dma_wait3A_54 = arith.constant 47 : i32
    %dma_wait3A_55 = arith.constant 0 : i32
    %dma_wait3A_56 = tpu.memref_slice %arg5[%dma_wait3A_54, %mul3A_2, %dma_wait3A_55] : memref<50x4096x128xf32, #tpu.memory_space<hbm>> -> memref<1x128x128xf32, #tpu.memory_space<hbm>>
    %dma_wait3A_57 = tpu.memref_squeeze %dma_wait3A_56 : memref<1x128x128xf32, #tpu.memory_space<hbm>> -> memref<128x128xf32, #tpu.memory_space<hbm>>
    %dma_wait3A_58 = arith.constant 0 : i32
    %dma_wait3A_59 = tpu.memref_slice %arg5[%dma_wait3A_54, %mul3A_2, %dma_wait3A_58] : memref<50x4096x128xf32, #tpu.memory_space<hbm>> -> memref<1x128x128xf32, #tpu.memory_space<hbm>>
    %dma_wait3A_60 = tpu.memref_squeeze %dma_wait3A_59 : memref<1x128x128xf32, #tpu.memory_space<hbm>> -> memref<128x128xf32, #tpu.memory_space<hbm>>
    tpu.wait_dma2 semaphore(%arg20 : memref<!tpu.dma_semaphore, #tpu.memory_space<semaphore_mem>>) src(%arg10 : memref<128x128xf32, #tpu.memory_space<vmem>>) dst(%dma_wait3A_60 : memref<128x128xf32, #tpu.memory_space<hbm>>)
    %dma_wait3A_61 = arith.constant 48 : i32
    %dma_wait3A_62 = arith.constant 0 : i32
    %dma_wait3A_63 = tpu.memref_slice %arg5[%dma_wait3A_61, %mul3A_2, %dma_wait3A_62] : memref<50x4096x128xf32, #tpu.memory_space<hbm>> -> memref<1x128x128xf32, #tpu.memory_space<hbm>>
    %dma_wait3A_64 = tpu.memref_squeeze %dma_wait3A_63 : memref<1x128x128xf32, #tpu.memory_space<hbm>> -> memref<128x128xf32, #tpu.memory_space<hbm>>
    %dma_wait3A_65 = arith.constant 0 : i32
    %dma_wait3A_66 = tpu.memref_slice %arg5[%dma_wait3A_61, %mul3A_2, %dma_wait3A_65] : memref<50x4096x128xf32, #tpu.memory_space<hbm>> -> memref<1x128x128xf32, #tpu.memory_space<hbm>>
    %dma_wait3A_67 = tpu.memref_squeeze %dma_wait3A_66 : memref<1x128x128xf32, #tpu.memory_space<hbm>> -> memref<128x128xf32, #tpu.memory_space<hbm>>
    tpu.wait_dma2 semaphore(%arg21 : memref<!tpu.dma_semaphore, #tpu.memory_space<semaphore_mem>>) src(%arg11 : memref<128x128xf32, #tpu.memory_space<vmem>>) dst(%dma_wait3A_67 : memref<128x128xf32, #tpu.memory_space<hbm>>)
    %dma_wait3A_68 = arith.constant 49 : i32
    %dma_wait3A_69 = arith.constant 0 : i32
    %dma_wait3A_70 = tpu.memref_slice %arg5[%dma_wait3A_68, %mul3A_2, %dma_wait3A_69] : memref<50x4096x128xf32, #tpu.memory_space<hbm>> -> memref<1x128x128xf32, #tpu.memory_space<hbm>>
    %dma_wait3A_71 = tpu.memref_squeeze %dma_wait3A_70 : memref<1x128x128xf32, #tpu.memory_space<hbm>> -> memref<128x128xf32, #tpu.memory_space<hbm>>
    %dma_wait3A_72 = arith.constant 0 : i32
    %dma_wait3A_73 = tpu.memref_slice %arg5[%dma_wait3A_68, %mul3A_2, %dma_wait3A_72] : memref<50x4096x128xf32, #tpu.memory_space<hbm>> -> memref<1x128x128xf32, #tpu.memory_space<hbm>>
    %dma_wait3A_74 = tpu.memref_squeeze %dma_wait3A_73 : memref<1x128x128xf32, #tpu.memory_space<hbm>> -> memref<128x128xf32, #tpu.memory_space<hbm>>
    tpu.wait_dma2 semaphore(%arg22 : memref<!tpu.dma_semaphore, #tpu.memory_space<semaphore_mem>>) src(%arg12 : memref<128x128xf32, #tpu.memory_space<vmem>>) dst(%dma_wait3A_74 : memref<128x128xf32, #tpu.memory_space<hbm>>)
    "tpu.region"() ({
      %run_scoped3A = tpu.sem_alloc : memref<!tpu.dma_semaphore, #tpu.memory_space<semaphore_mem>>
      %dma_start3A_150 = arith.constant 0 : i32
      %dma_start3A_151 = arith.constant 0 : i32
      %dma_start3A_152 = tpu.memref_slice %arg3[%add3A, %dma_start3A_150, %dma_start3A_151] : memref<32x50x128xi32, #tpu.memory_space<hbm>> -> memref<1x50x128xi32, #tpu.memory_space<hbm>>
      %dma_start3A_153 = tpu.memref_squeeze %dma_start3A_152 : memref<1x50x128xi32, #tpu.memory_space<hbm>> -> memref<50x128xi32, #tpu.memory_space<hbm>>
      %dma_start3A_154 = arith.constant 0 : i32
      %dma_start3A_155 = arith.constant 0 : i32
      %dma_start3A_156 = tpu.memref_slice %arg3[%add3A, %dma_start3A_154, %dma_start3A_155] : memref<32x50x128xi32, #tpu.memory_space<hbm>> -> memref<1x50x128xi32, #tpu.memory_space<hbm>>
      %dma_start3A_157 = tpu.memref_squeeze %dma_start3A_156 : memref<1x50x128xi32, #tpu.memory_space<hbm>> -> memref<50x128xi32, #tpu.memory_space<hbm>>
      tpu.enqueue_dma source(%dma_start3A_157 : memref<50x128xi32, #tpu.memory_space<hbm>>) target(%arg7 : memref<50x128xi32, #tpu.memory_space<vmem>>) target_semaphore(%run_scoped3A : memref<!tpu.dma_semaphore, #tpu.memory_space<semaphore_mem>>)
      %dma_wait3A_158 = arith.constant 0 : i32
      %dma_wait3A_159 = arith.constant 0 : i32
      %dma_wait3A_160 = tpu.memref_slice %arg3[%add3A, %dma_wait3A_158, %dma_wait3A_159] : memref<32x50x128xi32, #tpu.memory_space<hbm>> -> memref<1x50x128xi32, #tpu.memory_space<hbm>>
      %dma_wait3A_161 = tpu.memref_squeeze %dma_wait3A_160 : memref<1x50x128xi32, #tpu.memory_space<hbm>> -> memref<50x128xi32, #tpu.memory_space<hbm>>
      %dma_wait3A_162 = arith.constant 0 : i32
      %dma_wait3A_163 = arith.constant 0 : i32
      %dma_wait3A_164 = tpu.memref_slice %arg3[%add3A, %dma_wait3A_162, %dma_wait3A_163] : memref<32x50x128xi32, #tpu.memory_space<hbm>> -> memref<1x50x128xi32, #tpu.memory_space<hbm>>
      %dma_wait3A_165 = tpu.memref_squeeze %dma_wait3A_164 : memref<1x50x128xi32, #tpu.memory_space<hbm>> -> memref<50x128xi32, #tpu.memory_space<hbm>>
      tpu.wait_dma2 semaphore(%run_scoped3A : memref<!tpu.dma_semaphore, #tpu.memory_space<semaphore_mem>>) src(%dma_wait3A_165 : memref<50x128xi32, #tpu.memory_space<hbm>>) dst(%arg7 : memref<50x128xi32, #tpu.memory_space<vmem>>)
      tpu.yield
    }) : () -> ()
    %dma_start3A_75 = arith.constant 0 : i32
    %dma_start3A_76 = arith.constant 0 : i32
    %dma_start3A_77 = tpu.memref_slice %arg7[%dma_start3A_75, %dma_start3A_76] : memref<50x128xi32, #tpu.memory_space<vmem>> -> memref<1x128xi32, #tpu.memory_space<vmem>>
    %dma_start3A_78 = tpu.memref_squeeze %dma_start3A_77 : memref<1x128xi32, #tpu.memory_space<vmem>> -> memref<128xi32, #tpu.memory_space<vmem>>
    %dma_start3A_79 = arith.constant 0 : i32
    %dma_start3A_80 = arith.constant 0 : i32
    %dma_start3A_81 = tpu.memref_slice %arg4[%dma_start3A_79, %dma_start3A_80] : memref<100000x128xf32, #tpu.memory_space<hbm>> -> memref<100000x128xf32, #tpu.memory_space<hbm>>
    tpu.enqueue_indirect_dma source(%dma_start3A_81 : memref<100000x128xf32, #tpu.memory_space<hbm>>) target(%arg8 : memref<128x128xf32, #tpu.memory_space<vmem>>) offsets(%dma_start3A_78 : memref<128xi32, #tpu.memory_space<vmem>>) semaphore(%arg13 : memref<!tpu.dma_semaphore, #tpu.memory_space<semaphore_mem>>)
    %dma_start3A_82 = arith.constant 1 : i32
    %dma_start3A_83 = arith.constant 0 : i32
    %dma_start3A_84 = tpu.memref_slice %arg7[%dma_start3A_82, %dma_start3A_83] : memref<50x128xi32, #tpu.memory_space<vmem>> -> memref<1x128xi32, #tpu.memory_space<vmem>>
    %dma_start3A_85 = tpu.memref_squeeze %dma_start3A_84 : memref<1x128xi32, #tpu.memory_space<vmem>> -> memref<128xi32, #tpu.memory_space<vmem>>
    %dma_start3A_86 = arith.constant 0 : i32
    %dma_start3A_87 = arith.constant 0 : i32
    %dma_start3A_88 = tpu.memref_slice %arg4[%dma_start3A_86, %dma_start3A_87] : memref<100000x128xf32, #tpu.memory_space<hbm>> -> memref<100000x128xf32, #tpu.memory_space<hbm>>
    tpu.enqueue_indirect_dma source(%dma_start3A_88 : memref<100000x128xf32, #tpu.memory_space<hbm>>) target(%arg9 : memref<128x128xf32, #tpu.memory_space<vmem>>) offsets(%dma_start3A_85 : memref<128xi32, #tpu.memory_space<vmem>>) semaphore(%arg14 : memref<!tpu.dma_semaphore, #tpu.memory_space<semaphore_mem>>)
    %dma_start3A_89 = arith.constant 2 : i32
    %dma_start3A_90 = arith.constant 0 : i32
    %dma_start3A_91 = tpu.memref_slice %arg7[%dma_start3A_89, %dma_start3A_90] : memref<50x128xi32, #tpu.memory_space<vmem>> -> memref<1x128xi32, #tpu.memory_space<vmem>>
    %dma_start3A_92 = tpu.memref_squeeze %dma_start3A_91 : memref<1x128xi32, #tpu.memory_space<vmem>> -> memref<128xi32, #tpu.memory_space<vmem>>
    %dma_start3A_93 = arith.constant 0 : i32
    %dma_start3A_94 = arith.constant 0 : i32
    %dma_start3A_95 = tpu.memref_slice %arg4[%dma_start3A_93, %dma_start3A_94] : memref<100000x128xf32, #tpu.memory_space<hbm>> -> memref<100000x128xf32, #tpu.memory_space<hbm>>
    tpu.enqueue_indirect_dma source(%dma_start3A_95 : memref<100000x128xf32, #tpu.memory_space<hbm>>) target(%arg10 : memref<128x128xf32, #tpu.memory_space<vmem>>) offsets(%dma_start3A_92 : memref<128xi32, #tpu.memory_space<vmem>>) semaphore(%arg15 : memref<!tpu.dma_semaphore, #tpu.memory_space<semaphore_mem>>)
    %dma_start3A_96 = arith.constant 3 : i32
    %dma_start3A_97 = arith.constant 0 : i32
    %dma_start3A_98 = tpu.memref_slice %arg7[%dma_start3A_96, %dma_start3A_97] : memref<50x128xi32, #tpu.memory_space<vmem>> -> memref<1x128xi32, #tpu.memory_space<vmem>>
    %dma_start3A_99 = tpu.memref_squeeze %dma_start3A_98 : memref<1x128xi32, #tpu.memory_space<vmem>> -> memref<128xi32, #tpu.memory_space<vmem>>
    %dma_start3A_100 = arith.constant 0 : i32
    %dma_start3A_101 = arith.constant 0 : i32
    %dma_start3A_102 = tpu.memref_slice %arg4[%dma_start3A_100, %dma_start3A_101] : memref<100000x128xf32, #tpu.memory_space<hbm>> -> memref<100000x128xf32, #tpu.memory_space<hbm>>
    tpu.enqueue_indirect_dma source(%dma_start3A_102 : memref<100000x128xf32, #tpu.memory_space<hbm>>) target(%arg11 : memref<128x128xf32, #tpu.memory_space<vmem>>) offsets(%dma_start3A_99 : memref<128xi32, #tpu.memory_space<vmem>>) semaphore(%arg16 : memref<!tpu.dma_semaphore, #tpu.memory_space<semaphore_mem>>)
    %dma_start3A_103 = arith.constant 4 : i32
    %dma_start3A_104 = arith.constant 0 : i32
    %dma_start3A_105 = tpu.memref_slice %arg7[%dma_start3A_103, %dma_start3A_104] : memref<50x128xi32, #tpu.memory_space<vmem>> -> memref<1x128xi32, #tpu.memory_space<vmem>>
    %dma_start3A_106 = tpu.memref_squeeze %dma_start3A_105 : memref<1x128xi32, #tpu.memory_space<vmem>> -> memref<128xi32, #tpu.memory_space<vmem>>
    %dma_start3A_107 = arith.constant 0 : i32
    %dma_start3A_108 = arith.constant 0 : i32
    %dma_start3A_109 = tpu.memref_slice %arg4[%dma_start3A_107, %dma_start3A_108] : memref<100000x128xf32, #tpu.memory_space<hbm>> -> memref<100000x128xf32, #tpu.memory_space<hbm>>
    tpu.enqueue_indirect_dma source(%dma_start3A_109 : memref<100000x128xf32, #tpu.memory_space<hbm>>) target(%arg12 : memref<128x128xf32, #tpu.memory_space<vmem>>) offsets(%dma_start3A_106 : memref<128xi32, #tpu.memory_space<vmem>>) semaphore(%arg17 : memref<!tpu.dma_semaphore, #tpu.memory_space<semaphore_mem>>)
    %scan3A_110 = arith.constant 0 : i32
    %scan3A_111 = arith.constant 10 : i32
    %scan3A_112 = arith.addi %scan3A_110, %scan3A_111 : i32
    %scan3A_113 = arith.constant 1 : i32
    scf.for %scan3A_150 = %scan3A_110 to %scan3A_112 step %scan3A_113  : i32 {
      %mul3A_151 = arith.constant 5 : i32
      %mul3A_152 = arith.muli %scan3A_150, %mul3A_151 : i32
      %add3A_153 = arith.constant 0 : i32
      %add3A_154 = arith.addi %mul3A_152, %add3A_153 : i32
      %dma_wait3A_155 = arith.constant 0 : i32
      %dma_wait3A_156 = tpu.memref_slice %arg7[%add3A_154, %dma_wait3A_155] : memref<50x128xi32, #tpu.memory_space<vmem>> -> memref<1x128xi32, #tpu.memory_space<vmem>>
      %dma_wait3A_157 = tpu.memref_squeeze %dma_wait3A_156 : memref<1x128xi32, #tpu.memory_space<vmem>> -> memref<128xi32, #tpu.memory_space<vmem>>
      %dma_wait3A_158 = arith.constant 0 : i32
      %dma_wait3A_159 = arith.constant 0 : i32
      %dma_wait3A_160 = tpu.memref_slice %arg4[%dma_wait3A_158, %dma_wait3A_159] : memref<100000x128xf32, #tpu.memory_space<hbm>> -> memref<100000x128xf32, #tpu.memory_space<hbm>>
      tpu.wait_indirect_dma semaphore(%arg13 : memref<!tpu.dma_semaphore, #tpu.memory_space<semaphore_mem>>) src(%dma_wait3A_160 : memref<100000x128xf32, #tpu.memory_space<hbm>>) dst(%arg8 : memref<128x128xf32, #tpu.memory_space<vmem>>)
      %dma_start3A_161 = arith.constant 0 : i32
      %dma_start3A_162 = tpu.memref_slice %arg6[%add3A_154, %mul3A_2, %dma_start3A_161] : memref<50x4096x128xf32, #tpu.memory_space<hbm>> -> memref<1x128x128xf32, #tpu.memory_space<hbm>>
      %dma_start3A_163 = tpu.memref_squeeze %dma_start3A_162 : memref<1x128x128xf32, #tpu.memory_space<hbm>> -> memref<128x128xf32, #tpu.memory_space<hbm>>
      %dma_start3A_164 = arith.constant 0 : i32
      %dma_start3A_165 = tpu.memref_slice %arg6[%add3A_154, %mul3A_2, %dma_start3A_164] : memref<50x4096x128xf32, #tpu.memory_space<hbm>> -> memref<1x128x128xf32, #tpu.memory_space<hbm>>
      %dma_start3A_166 = tpu.memref_squeeze %dma_start3A_165 : memref<1x128x128xf32, #tpu.memory_space<hbm>> -> memref<128x128xf32, #tpu.memory_space<hbm>>
      tpu.enqueue_dma source(%arg8 : memref<128x128xf32, #tpu.memory_space<vmem>>) target(%dma_start3A_166 : memref<128x128xf32, #tpu.memory_space<hbm>>) target_semaphore(%arg18 : memref<!tpu.dma_semaphore, #tpu.memory_space<semaphore_mem>>)
      %sub3A = arith.constant 2 : i32
      %sub3A_167 = arith.subi %add3A_154, %sub3A : i32
      %add3A_168 = arith.constant 5 : i32
      %add3A_169 = arith.addi %sub3A_167, %add3A_168 : i32
      %ge3A = arith.constant 2 : i32
      %ge3A_170 = arith.cmpi sge, %add3A_154, %ge3A : i32
      %lt3A = arith.constant 50 : i32
      %lt3A_171 = arith.cmpi slt, %add3A_169, %lt3A : i32
      %and3A = arith.andi %ge3A_170, %lt3A_171 : i1
      %convert_element_type3A = arith.extui %and3A : i1 to i32
      %cond3A = arith.constant 0 : i32
      %cond3A_172 = arith.cmpi ne, %convert_element_type3A, %cond3A : i32
      scf.if %cond3A_172 {
        %sub3A_277 = arith.constant 2 : i32
        %sub3A_278 = arith.subi %add3A_154, %sub3A_277 : i32
        %dma_wait3A_279 = arith.constant 0 : i32
        %dma_wait3A_280 = tpu.memref_slice %arg6[%sub3A_278, %mul3A_2, %dma_wait3A_279] : memref<50x4096x128xf32, #tpu.memory_space<hbm>> -> memref<1x128x128xf32, #tpu.memory_space<hbm>>
        %dma_wait3A_281 = tpu.memref_squeeze %dma_wait3A_280 : memref<1x128x128xf32, #tpu.memory_space<hbm>> -> memref<128x128xf32, #tpu.memory_space<hbm>>
        %dma_wait3A_282 = arith.constant 0 : i32
        %dma_wait3A_283 = tpu.memref_slice %arg6[%sub3A_278, %mul3A_2, %dma_wait3A_282] : memref<50x4096x128xf32, #tpu.memory_space<hbm>> -> memref<1x128x128xf32, #tpu.memory_space<hbm>>
        %dma_wait3A_284 = tpu.memref_squeeze %dma_wait3A_283 : memref<1x128x128xf32, #tpu.memory_space<hbm>> -> memref<128x128xf32, #tpu.memory_space<hbm>>
        tpu.wait_dma2 semaphore(%arg21 : memref<!tpu.dma_semaphore, #tpu.memory_space<semaphore_mem>>) src(%arg11 : memref<128x128xf32, #tpu.memory_space<vmem>>) dst(%dma_wait3A_284 : memref<128x128xf32, #tpu.memory_space<hbm>>)
        %dma_start3A_285 = arith.constant 0 : i32
        %dma_start3A_286 = tpu.memref_slice %arg7[%add3A_169, %dma_start3A_285] : memref<50x128xi32, #tpu.memory_space<vmem>> -> memref<1x128xi32, #tpu.memory_space<vmem>>
        %dma_start3A_287 = tpu.memref_squeeze %dma_start3A_286 : memref<1x128xi32, #tpu.memory_space<vmem>> -> memref<128xi32, #tpu.memory_space<vmem>>
        %dma_start3A_288 = arith.constant 0 : i32
        %dma_start3A_289 = arith.constant 0 : i32
        %dma_start3A_290 = tpu.memref_slice %arg4[%dma_start3A_288, %dma_start3A_289] : memref<100000x128xf32, #tpu.memory_space<hbm>> -> memref<100000x128xf32, #tpu.memory_space<hbm>>
        tpu.enqueue_indirect_dma source(%dma_start3A_290 : memref<100000x128xf32, #tpu.memory_space<hbm>>) target(%arg11 : memref<128x128xf32, #tpu.memory_space<vmem>>) offsets(%dma_start3A_287 : memref<128xi32, #tpu.memory_space<vmem>>) semaphore(%arg16 : memref<!tpu.dma_semaphore, #tpu.memory_space<semaphore_mem>>)
      } else {
      }
      %add3A_173 = arith.constant 1 : i32
      %add3A_174 = arith.addi %mul3A_152, %add3A_173 : i32
      %dma_wait3A_175 = arith.constant 0 : i32
      %dma_wait3A_176 = tpu.memref_slice %arg7[%add3A_174, %dma_wait3A_175] : memref<50x128xi32, #tpu.memory_space<vmem>> -> memref<1x128xi32, #tpu.memory_space<vmem>>
      %dma_wait3A_177 = tpu.memref_squeeze %dma_wait3A_176 : memref<1x128xi32, #tpu.memory_space<vmem>> -> memref<128xi32, #tpu.memory_space<vmem>>
      %dma_wait3A_178 = arith.constant 0 : i32
      %dma_wait3A_179 = arith.constant 0 : i32
      %dma_wait3A_180 = tpu.memref_slice %arg4[%dma_wait3A_178, %dma_wait3A_179] : memref<100000x128xf32, #tpu.memory_space<hbm>> -> memref<100000x128xf32, #tpu.memory_space<hbm>>
      tpu.wait_indirect_dma semaphore(%arg14 : memref<!tpu.dma_semaphore, #tpu.memory_space<semaphore_mem>>) src(%dma_wait3A_180 : memref<100000x128xf32, #tpu.memory_space<hbm>>) dst(%arg9 : memref<128x128xf32, #tpu.memory_space<vmem>>)
      %dma_start3A_181 = arith.constant 0 : i32
      %dma_start3A_182 = tpu.memref_slice %arg6[%add3A_174, %mul3A_2, %dma_start3A_181] : memref<50x4096x128xf32, #tpu.memory_space<hbm>> -> memref<1x128x128xf32, #tpu.memory_space<hbm>>
      %dma_start3A_183 = tpu.memref_squeeze %dma_start3A_182 : memref<1x128x128xf32, #tpu.memory_space<hbm>> -> memref<128x128xf32, #tpu.memory_space<hbm>>
      %dma_start3A_184 = arith.constant 0 : i32
      %dma_start3A_185 = tpu.memref_slice %arg6[%add3A_174, %mul3A_2, %dma_start3A_184] : memref<50x4096x128xf32, #tpu.memory_space<hbm>> -> memref<1x128x128xf32, #tpu.memory_space<hbm>>
      %dma_start3A_186 = tpu.memref_squeeze %dma_start3A_185 : memref<1x128x128xf32, #tpu.memory_space<hbm>> -> memref<128x128xf32, #tpu.memory_space<hbm>>
      tpu.enqueue_dma source(%arg9 : memref<128x128xf32, #tpu.memory_space<vmem>>) target(%dma_start3A_186 : memref<128x128xf32, #tpu.memory_space<hbm>>) target_semaphore(%arg19 : memref<!tpu.dma_semaphore, #tpu.memory_space<semaphore_mem>>)
      %sub3A_187 = arith.constant 2 : i32
      %sub3A_188 = arith.subi %add3A_174, %sub3A_187 : i32
      %add3A_189 = arith.constant 5 : i32
      %add3A_190 = arith.addi %sub3A_188, %add3A_189 : i32
      %ge3A_191 = arith.constant 2 : i32
      %ge3A_192 = arith.cmpi sge, %add3A_174, %ge3A_191 : i32
      %lt3A_193 = arith.constant 50 : i32
      %lt3A_194 = arith.cmpi slt, %add3A_190, %lt3A_193 : i32
      %and3A_195 = arith.andi %ge3A_192, %lt3A_194 : i1
      %convert_element_type3A_196 = arith.extui %and3A_195 : i1 to i32
      %cond3A_197 = arith.constant 0 : i32
      %cond3A_198 = arith.cmpi ne, %convert_element_type3A_196, %cond3A_197 : i32
      scf.if %cond3A_198 {
        %sub3A_277 = arith.constant 2 : i32
        %sub3A_278 = arith.subi %add3A_174, %sub3A_277 : i32
        %dma_wait3A_279 = arith.constant 0 : i32
        %dma_wait3A_280 = tpu.memref_slice %arg6[%sub3A_278, %mul3A_2, %dma_wait3A_279] : memref<50x4096x128xf32, #tpu.memory_space<hbm>> -> memref<1x128x128xf32, #tpu.memory_space<hbm>>
        %dma_wait3A_281 = tpu.memref_squeeze %dma_wait3A_280 : memref<1x128x128xf32, #tpu.memory_space<hbm>> -> memref<128x128xf32, #tpu.memory_space<hbm>>
        %dma_wait3A_282 = arith.constant 0 : i32
        %dma_wait3A_283 = tpu.memref_slice %arg6[%sub3A_278, %mul3A_2, %dma_wait3A_282] : memref<50x4096x128xf32, #tpu.memory_space<hbm>> -> memref<1x128x128xf32, #tpu.memory_space<hbm>>
        %dma_wait3A_284 = tpu.memref_squeeze %dma_wait3A_283 : memref<1x128x128xf32, #tpu.memory_space<hbm>> -> memref<128x128xf32, #tpu.memory_space<hbm>>
        tpu.wait_dma2 semaphore(%arg22 : memref<!tpu.dma_semaphore, #tpu.memory_space<semaphore_mem>>) src(%arg12 : memref<128x128xf32, #tpu.memory_space<vmem>>) dst(%dma_wait3A_284 : memref<128x128xf32, #tpu.memory_space<hbm>>)
        %dma_start3A_285 = arith.constant 0 : i32
        %dma_start3A_286 = tpu.memref_slice %arg7[%add3A_190, %dma_start3A_285] : memref<50x128xi32, #tpu.memory_space<vmem>> -> memref<1x128xi32, #tpu.memory_space<vmem>>
        %dma_start3A_287 = tpu.memref_squeeze %dma_start3A_286 : memref<1x128xi32, #tpu.memory_space<vmem>> -> memref<128xi32, #tpu.memory_space<vmem>>
        %dma_start3A_288 = arith.constant 0 : i32
        %dma_start3A_289 = arith.constant 0 : i32
        %dma_start3A_290 = tpu.memref_slice %arg4[%dma_start3A_288, %dma_start3A_289] : memref<100000x128xf32, #tpu.memory_space<hbm>> -> memref<100000x128xf32, #tpu.memory_space<hbm>>
        tpu.enqueue_indirect_dma source(%dma_start3A_290 : memref<100000x128xf32, #tpu.memory_space<hbm>>) target(%arg12 : memref<128x128xf32, #tpu.memory_space<vmem>>) offsets(%dma_start3A_287 : memref<128xi32, #tpu.memory_space<vmem>>) semaphore(%arg17 : memref<!tpu.dma_semaphore, #tpu.memory_space<semaphore_mem>>)
      } else {
      }
      %add3A_199 = arith.constant 2 : i32
      %add3A_200 = arith.addi %mul3A_152, %add3A_199 : i32
      %dma_wait3A_201 = arith.constant 0 : i32
      %dma_wait3A_202 = tpu.memref_slice %arg7[%add3A_200, %dma_wait3A_201] : memref<50x128xi32, #tpu.memory_space<vmem>> -> memref<1x128xi32, #tpu.memory_space<vmem>>
      %dma_wait3A_203 = tpu.memref_squeeze %dma_wait3A_202 : memref<1x128xi32, #tpu.memory_space<vmem>> -> memref<128xi32, #tpu.memory_space<vmem>>
      %dma_wait3A_204 = arith.constant 0 : i32
      %dma_wait3A_205 = arith.constant 0 : i32
      %dma_wait3A_206 = tpu.memref_slice %arg4[%dma_wait3A_204, %dma_wait3A_205] : memref<100000x128xf32, #tpu.memory_space<hbm>> -> memref<100000x128xf32, #tpu.memory_space<hbm>>
      tpu.wait_indirect_dma semaphore(%arg15 : memref<!tpu.dma_semaphore, #tpu.memory_space<semaphore_mem>>) src(%dma_wait3A_206 : memref<100000x128xf32, #tpu.memory_space<hbm>>) dst(%arg10 : memref<128x128xf32, #tpu.memory_space<vmem>>)
      %dma_start3A_207 = arith.constant 0 : i32
      %dma_start3A_208 = tpu.memref_slice %arg6[%add3A_200, %mul3A_2, %dma_start3A_207] : memref<50x4096x128xf32, #tpu.memory_space<hbm>> -> memref<1x128x128xf32, #tpu.memory_space<hbm>>
      %dma_start3A_209 = tpu.memref_squeeze %dma_start3A_208 : memref<1x128x128xf32, #tpu.memory_space<hbm>> -> memref<128x128xf32, #tpu.memory_space<hbm>>
      %dma_start3A_210 = arith.constant 0 : i32
      %dma_start3A_211 = tpu.memref_slice %arg6[%add3A_200, %mul3A_2, %dma_start3A_210] : memref<50x4096x128xf32, #tpu.memory_space<hbm>> -> memref<1x128x128xf32, #tpu.memory_space<hbm>>
      %dma_start3A_212 = tpu.memref_squeeze %dma_start3A_211 : memref<1x128x128xf32, #tpu.memory_space<hbm>> -> memref<128x128xf32, #tpu.memory_space<hbm>>
      tpu.enqueue_dma source(%arg10 : memref<128x128xf32, #tpu.memory_space<vmem>>) target(%dma_start3A_212 : memref<128x128xf32, #tpu.memory_space<hbm>>) target_semaphore(%arg20 : memref<!tpu.dma_semaphore, #tpu.memory_space<semaphore_mem>>)
      %sub3A_213 = arith.constant 2 : i32
      %sub3A_214 = arith.subi %add3A_200, %sub3A_213 : i32
      %add3A_215 = arith.constant 5 : i32
      %add3A_216 = arith.addi %sub3A_214, %add3A_215 : i32
      %ge3A_217 = arith.constant 2 : i32
      %ge3A_218 = arith.cmpi sge, %add3A_200, %ge3A_217 : i32
      %lt3A_219 = arith.constant 50 : i32
      %lt3A_220 = arith.cmpi slt, %add3A_216, %lt3A_219 : i32
      %and3A_221 = arith.andi %ge3A_218, %lt3A_220 : i1
      %convert_element_type3A_222 = arith.extui %and3A_221 : i1 to i32
      %cond3A_223 = arith.constant 0 : i32
      %cond3A_224 = arith.cmpi ne, %convert_element_type3A_222, %cond3A_223 : i32
      scf.if %cond3A_224 {
        %sub3A_277 = arith.constant 2 : i32
        %sub3A_278 = arith.subi %add3A_200, %sub3A_277 : i32
        %dma_wait3A_279 = arith.constant 0 : i32
        %dma_wait3A_280 = tpu.memref_slice %arg6[%sub3A_278, %mul3A_2, %dma_wait3A_279] : memref<50x4096x128xf32, #tpu.memory_space<hbm>> -> memref<1x128x128xf32, #tpu.memory_space<hbm>>
        %dma_wait3A_281 = tpu.memref_squeeze %dma_wait3A_280 : memref<1x128x128xf32, #tpu.memory_space<hbm>> -> memref<128x128xf32, #tpu.memory_space<hbm>>
        %dma_wait3A_282 = arith.constant 0 : i32
        %dma_wait3A_283 = tpu.memref_slice %arg6[%sub3A_278, %mul3A_2, %dma_wait3A_282] : memref<50x4096x128xf32, #tpu.memory_space<hbm>> -> memref<1x128x128xf32, #tpu.memory_space<hbm>>
        %dma_wait3A_284 = tpu.memref_squeeze %dma_wait3A_283 : memref<1x128x128xf32, #tpu.memory_space<hbm>> -> memref<128x128xf32, #tpu.memory_space<hbm>>
        tpu.wait_dma2 semaphore(%arg18 : memref<!tpu.dma_semaphore, #tpu.memory_space<semaphore_mem>>) src(%arg8 : memref<128x128xf32, #tpu.memory_space<vmem>>) dst(%dma_wait3A_284 : memref<128x128xf32, #tpu.memory_space<hbm>>)
        %dma_start3A_285 = arith.constant 0 : i32
        %dma_start3A_286 = tpu.memref_slice %arg7[%add3A_216, %dma_start3A_285] : memref<50x128xi32, #tpu.memory_space<vmem>> -> memref<1x128xi32, #tpu.memory_space<vmem>>
        %dma_start3A_287 = tpu.memref_squeeze %dma_start3A_286 : memref<1x128xi32, #tpu.memory_space<vmem>> -> memref<128xi32, #tpu.memory_space<vmem>>
        %dma_start3A_288 = arith.constant 0 : i32
        %dma_start3A_289 = arith.constant 0 : i32
        %dma_start3A_290 = tpu.memref_slice %arg4[%dma_start3A_288, %dma_start3A_289] : memref<100000x128xf32, #tpu.memory_space<hbm>> -> memref<100000x128xf32, #tpu.memory_space<hbm>>
        tpu.enqueue_indirect_dma source(%dma_start3A_290 : memref<100000x128xf32, #tpu.memory_space<hbm>>) target(%arg8 : memref<128x128xf32, #tpu.memory_space<vmem>>) offsets(%dma_start3A_287 : memref<128xi32, #tpu.memory_space<vmem>>) semaphore(%arg13 : memref<!tpu.dma_semaphore, #tpu.memory_space<semaphore_mem>>)
      } else {
      }
      %add3A_225 = arith.constant 3 : i32
      %add3A_226 = arith.addi %mul3A_152, %add3A_225 : i32
      %dma_wait3A_227 = arith.constant 0 : i32
      %dma_wait3A_228 = tpu.memref_slice %arg7[%add3A_226, %dma_wait3A_227] : memref<50x128xi32, #tpu.memory_space<vmem>> -> memref<1x128xi32, #tpu.memory_space<vmem>>
      %dma_wait3A_229 = tpu.memref_squeeze %dma_wait3A_228 : memref<1x128xi32, #tpu.memory_space<vmem>> -> memref<128xi32, #tpu.memory_space<vmem>>
      %dma_wait3A_230 = arith.constant 0 : i32
      %dma_wait3A_231 = arith.constant 0 : i32
      %dma_wait3A_232 = tpu.memref_slice %arg4[%dma_wait3A_230, %dma_wait3A_231] : memref<100000x128xf32, #tpu.memory_space<hbm>> -> memref<100000x128xf32, #tpu.memory_space<hbm>>
      tpu.wait_indirect_dma semaphore(%arg16 : memref<!tpu.dma_semaphore, #tpu.memory_space<semaphore_mem>>) src(%dma_wait3A_232 : memref<100000x128xf32, #tpu.memory_space<hbm>>) dst(%arg11 : memref<128x128xf32, #tpu.memory_space<vmem>>)
      %dma_start3A_233 = arith.constant 0 : i32
      %dma_start3A_234 = tpu.memref_slice %arg6[%add3A_226, %mul3A_2, %dma_start3A_233] : memref<50x4096x128xf32, #tpu.memory_space<hbm>> -> memref<1x128x128xf32, #tpu.memory_space<hbm>>
      %dma_start3A_235 = tpu.memref_squeeze %dma_start3A_234 : memref<1x128x128xf32, #tpu.memory_space<hbm>> -> memref<128x128xf32, #tpu.memory_space<hbm>>
      %dma_start3A_236 = arith.constant 0 : i32
      %dma_start3A_237 = tpu.memref_slice %arg6[%add3A_226, %mul3A_2, %dma_start3A_236] : memref<50x4096x128xf32, #tpu.memory_space<hbm>> -> memref<1x128x128xf32, #tpu.memory_space<hbm>>
      %dma_start3A_238 = tpu.memref_squeeze %dma_start3A_237 : memref<1x128x128xf32, #tpu.memory_space<hbm>> -> memref<128x128xf32, #tpu.memory_space<hbm>>
      tpu.enqueue_dma source(%arg11 : memref<128x128xf32, #tpu.memory_space<vmem>>) target(%dma_start3A_238 : memref<128x128xf32, #tpu.memory_space<hbm>>) target_semaphore(%arg21 : memref<!tpu.dma_semaphore, #tpu.memory_space<semaphore_mem>>)
      %sub3A_239 = arith.constant 2 : i32
      %sub3A_240 = arith.subi %add3A_226, %sub3A_239 : i32
      %add3A_241 = arith.constant 5 : i32
      %add3A_242 = arith.addi %sub3A_240, %add3A_241 : i32
      %ge3A_243 = arith.constant 2 : i32
      %ge3A_244 = arith.cmpi sge, %add3A_226, %ge3A_243 : i32
      %lt3A_245 = arith.constant 50 : i32
      %lt3A_246 = arith.cmpi slt, %add3A_242, %lt3A_245 : i32
      %and3A_247 = arith.andi %ge3A_244, %lt3A_246 : i1
      %convert_element_type3A_248 = arith.extui %and3A_247 : i1 to i32
      %cond3A_249 = arith.constant 0 : i32
      %cond3A_250 = arith.cmpi ne, %convert_element_type3A_248, %cond3A_249 : i32
      scf.if %cond3A_250 {
        %sub3A_277 = arith.constant 2 : i32
        %sub3A_278 = arith.subi %add3A_226, %sub3A_277 : i32
        %dma_wait3A_279 = arith.constant 0 : i32
        %dma_wait3A_280 = tpu.memref_slice %arg6[%sub3A_278, %mul3A_2, %dma_wait3A_279] : memref<50x4096x128xf32, #tpu.memory_space<hbm>> -> memref<1x128x128xf32, #tpu.memory_space<hbm>>
        %dma_wait3A_281 = tpu.memref_squeeze %dma_wait3A_280 : memref<1x128x128xf32, #tpu.memory_space<hbm>> -> memref<128x128xf32, #tpu.memory_space<hbm>>
        %dma_wait3A_282 = arith.constant 0 : i32
        %dma_wait3A_283 = tpu.memref_slice %arg6[%sub3A_278, %mul3A_2, %dma_wait3A_282] : memref<50x4096x128xf32, #tpu.memory_space<hbm>> -> memref<1x128x128xf32, #tpu.memory_space<hbm>>
        %dma_wait3A_284 = tpu.memref_squeeze %dma_wait3A_283 : memref<1x128x128xf32, #tpu.memory_space<hbm>> -> memref<128x128xf32, #tpu.memory_space<hbm>>
        tpu.wait_dma2 semaphore(%arg19 : memref<!tpu.dma_semaphore, #tpu.memory_space<semaphore_mem>>) src(%arg9 : memref<128x128xf32, #tpu.memory_space<vmem>>) dst(%dma_wait3A_284 : memref<128x128xf32, #tpu.memory_space<hbm>>)
        %dma_start3A_285 = arith.constant 0 : i32
        %dma_start3A_286 = tpu.memref_slice %arg7[%add3A_242, %dma_start3A_285] : memref<50x128xi32, #tpu.memory_space<vmem>> -> memref<1x128xi32, #tpu.memory_space<vmem>>
        %dma_start3A_287 = tpu.memref_squeeze %dma_start3A_286 : memref<1x128xi32, #tpu.memory_space<vmem>> -> memref<128xi32, #tpu.memory_space<vmem>>
        %dma_start3A_288 = arith.constant 0 : i32
        %dma_start3A_289 = arith.constant 0 : i32
        %dma_start3A_290 = tpu.memref_slice %arg4[%dma_start3A_288, %dma_start3A_289] : memref<100000x128xf32, #tpu.memory_space<hbm>> -> memref<100000x128xf32, #tpu.memory_space<hbm>>
        tpu.enqueue_indirect_dma source(%dma_start3A_290 : memref<100000x128xf32, #tpu.memory_space<hbm>>) target(%arg9 : memref<128x128xf32, #tpu.memory_space<vmem>>) offsets(%dma_start3A_287 : memref<128xi32, #tpu.memory_space<vmem>>) semaphore(%arg14 : memref<!tpu.dma_semaphore, #tpu.memory_space<semaphore_mem>>)
      } else {
      }
      %add3A_251 = arith.constant 4 : i32
      %add3A_252 = arith.addi %mul3A_152, %add3A_251 : i32
      %dma_wait3A_253 = arith.constant 0 : i32
      %dma_wait3A_254 = tpu.memref_slice %arg7[%add3A_252, %dma_wait3A_253] : memref<50x128xi32, #tpu.memory_space<vmem>> -> memref<1x128xi32, #tpu.memory_space<vmem>>
      %dma_wait3A_255 = tpu.memref_squeeze %dma_wait3A_254 : memref<1x128xi32, #tpu.memory_space<vmem>> -> memref<128xi32, #tpu.memory_space<vmem>>
      %dma_wait3A_256 = arith.constant 0 : i32
      %dma_wait3A_257 = arith.constant 0 : i32
      %dma_wait3A_258 = tpu.memref_slice %arg4[%dma_wait3A_256, %dma_wait3A_257] : memref<100000x128xf32, #tpu.memory_space<hbm>> -> memref<100000x128xf32, #tpu.memory_space<hbm>>
      tpu.wait_indirect_dma semaphore(%arg17 : memref<!tpu.dma_semaphore, #tpu.memory_space<semaphore_mem>>) src(%dma_wait3A_258 : memref<100000x128xf32, #tpu.memory_space<hbm>>) dst(%arg12 : memref<128x128xf32, #tpu.memory_space<vmem>>)
      %dma_start3A_259 = arith.constant 0 : i32
      %dma_start3A_260 = tpu.memref_slice %arg6[%add3A_252, %mul3A_2, %dma_start3A_259] : memref<50x4096x128xf32, #tpu.memory_space<hbm>> -> memref<1x128x128xf32, #tpu.memory_space<hbm>>
      %dma_start3A_261 = tpu.memref_squeeze %dma_start3A_260 : memref<1x128x128xf32, #tpu.memory_space<hbm>> -> memref<128x128xf32, #tpu.memory_space<hbm>>
      %dma_start3A_262 = arith.constant 0 : i32
      %dma_start3A_263 = tpu.memref_slice %arg6[%add3A_252, %mul3A_2, %dma_start3A_262] : memref<50x4096x128xf32, #tpu.memory_space<hbm>> -> memref<1x128x128xf32, #tpu.memory_space<hbm>>
      %dma_start3A_264 = tpu.memref_squeeze %dma_start3A_263 : memref<1x128x128xf32, #tpu.memory_space<hbm>> -> memref<128x128xf32, #tpu.memory_space<hbm>>
      tpu.enqueue_dma source(%arg12 : memref<128x128xf32, #tpu.memory_space<vmem>>) target(%dma_start3A_264 : memref<128x128xf32, #tpu.memory_space<hbm>>) target_semaphore(%arg22 : memref<!tpu.dma_semaphore, #tpu.memory_space<semaphore_mem>>)
      %sub3A_265 = arith.constant 2 : i32
      %sub3A_266 = arith.subi %add3A_252, %sub3A_265 : i32
      %add3A_267 = arith.constant 5 : i32
      %add3A_268 = arith.addi %sub3A_266, %add3A_267 : i32
      %ge3A_269 = arith.constant 2 : i32
      %ge3A_270 = arith.cmpi sge, %add3A_252, %ge3A_269 : i32
      %lt3A_271 = arith.constant 50 : i32
      %lt3A_272 = arith.cmpi slt, %add3A_268, %lt3A_271 : i32
      %and3A_273 = arith.andi %ge3A_270, %lt3A_272 : i1
      %convert_element_type3A_274 = arith.extui %and3A_273 : i1 to i32
      %cond3A_275 = arith.constant 0 : i32
      %cond3A_276 = arith.cmpi ne, %convert_element_type3A_274, %cond3A_275 : i32
      scf.if %cond3A_276 {
        %sub3A_277 = arith.constant 2 : i32
        %sub3A_278 = arith.subi %add3A_252, %sub3A_277 : i32
        %dma_wait3A_279 = arith.constant 0 : i32
        %dma_wait3A_280 = tpu.memref_slice %arg6[%sub3A_278, %mul3A_2, %dma_wait3A_279] : memref<50x4096x128xf32, #tpu.memory_space<hbm>> -> memref<1x128x128xf32, #tpu.memory_space<hbm>>
        %dma_wait3A_281 = tpu.memref_squeeze %dma_wait3A_280 : memref<1x128x128xf32, #tpu.memory_space<hbm>> -> memref<128x128xf32, #tpu.memory_space<hbm>>
        %dma_wait3A_282 = arith.constant 0 : i32
        %dma_wait3A_283 = tpu.memref_slice %arg6[%sub3A_278, %mul3A_2, %dma_wait3A_282] : memref<50x4096x128xf32, #tpu.memory_space<hbm>> -> memref<1x128x128xf32, #tpu.memory_space<hbm>>
        %dma_wait3A_284 = tpu.memref_squeeze %dma_wait3A_283 : memref<1x128x128xf32, #tpu.memory_space<hbm>> -> memref<128x128xf32, #tpu.memory_space<hbm>>
        tpu.wait_dma2 semaphore(%arg20 : memref<!tpu.dma_semaphore, #tpu.memory_space<semaphore_mem>>) src(%arg10 : memref<128x128xf32, #tpu.memory_space<vmem>>) dst(%dma_wait3A_284 : memref<128x128xf32, #tpu.memory_space<hbm>>)
        %dma_start3A_285 = arith.constant 0 : i32
        %dma_start3A_286 = tpu.memref_slice %arg7[%add3A_268, %dma_start3A_285] : memref<50x128xi32, #tpu.memory_space<vmem>> -> memref<1x128xi32, #tpu.memory_space<vmem>>
        %dma_start3A_287 = tpu.memref_squeeze %dma_start3A_286 : memref<1x128xi32, #tpu.memory_space<vmem>> -> memref<128xi32, #tpu.memory_space<vmem>>
        %dma_start3A_288 = arith.constant 0 : i32
        %dma_start3A_289 = arith.constant 0 : i32
        %dma_start3A_290 = tpu.memref_slice %arg4[%dma_start3A_288, %dma_start3A_289] : memref<100000x128xf32, #tpu.memory_space<hbm>> -> memref<100000x128xf32, #tpu.memory_space<hbm>>
        tpu.enqueue_indirect_dma source(%dma_start3A_290 : memref<100000x128xf32, #tpu.memory_space<hbm>>) target(%arg10 : memref<128x128xf32, #tpu.memory_space<vmem>>) offsets(%dma_start3A_287 : memref<128xi32, #tpu.memory_space<vmem>>) semaphore(%arg15 : memref<!tpu.dma_semaphore, #tpu.memory_space<semaphore_mem>>)
      } else {
      }
    }
    %scan3A_114 = arith.constant 10 : i32
    %dma_wait3A_115 = arith.constant 45 : i32
    %dma_wait3A_116 = arith.constant 0 : i32
    %dma_wait3A_117 = tpu.memref_slice %arg6[%dma_wait3A_115, %mul3A_2, %dma_wait3A_116] : memref<50x4096x128xf32, #tpu.memory_space<hbm>> -> memref<1x128x128xf32, #tpu.memory_space<hbm>>
    %dma_wait3A_118 = tpu.memref_squeeze %dma_wait3A_117 : memref<1x128x128xf32, #tpu.memory_space<hbm>> -> memref<128x128xf32, #tpu.memory_space<hbm>>
    %dma_wait3A_119 = arith.constant 0 : i32
    %dma_wait3A_120 = tpu.memref_slice %arg6[%dma_wait3A_115, %mul3A_2, %dma_wait3A_119] : memref<50x4096x128xf32, #tpu.memory_space<hbm>> -> memref<1x128x128xf32, #tpu.memory_space<hbm>>
    %dma_wait3A_121 = tpu.memref_squeeze %dma_wait3A_120 : memref<1x128x128xf32, #tpu.memory_space<hbm>> -> memref<128x128xf32, #tpu.memory_space<hbm>>
    tpu.wait_dma2 semaphore(%arg18 : memref<!tpu.dma_semaphore, #tpu.memory_space<semaphore_mem>>) src(%arg8 : memref<128x128xf32, #tpu.memory_space<vmem>>) dst(%dma_wait3A_121 : memref<128x128xf32, #tpu.memory_space<hbm>>)
    %dma_wait3A_122 = arith.constant 46 : i32
    %dma_wait3A_123 = arith.constant 0 : i32
    %dma_wait3A_124 = tpu.memref_slice %arg6[%dma_wait3A_122, %mul3A_2, %dma_wait3A_123] : memref<50x4096x128xf32, #tpu.memory_space<hbm>> -> memref<1x128x128xf32, #tpu.memory_space<hbm>>
    %dma_wait3A_125 = tpu.memref_squeeze %dma_wait3A_124 : memref<1x128x128xf32, #tpu.memory_space<hbm>> -> memref<128x128xf32, #tpu.memory_space<hbm>>
    %dma_wait3A_126 = arith.constant 0 : i32
    %dma_wait3A_127 = tpu.memref_slice %arg6[%dma_wait3A_122, %mul3A_2, %dma_wait3A_126] : memref<50x4096x128xf32, #tpu.memory_space<hbm>> -> memref<1x128x128xf32, #tpu.memory_space<hbm>>
    %dma_wait3A_128 = tpu.memref_squeeze %dma_wait3A_127 : memref<1x128x128xf32, #tpu.memory_space<hbm>> -> memref<128x128xf32, #tpu.memory_space<hbm>>
    tpu.wait_dma2 semaphore(%arg19 : memref<!tpu.dma_semaphore, #tpu.memory_space<semaphore_mem>>) src(%arg9 : memref<128x128xf32, #tpu.memory_space<vmem>>) dst(%dma_wait3A_128 : memref<128x128xf32, #tpu.memory_space<hbm>>)
    %dma_wait3A_129 = arith.constant 47 : i32
    %dma_wait3A_130 = arith.constant 0 : i32
    %dma_wait3A_131 = tpu.memref_slice %arg6[%dma_wait3A_129, %mul3A_2, %dma_wait3A_130] : memref<50x4096x128xf32, #tpu.memory_space<hbm>> -> memref<1x128x128xf32, #tpu.memory_space<hbm>>
    %dma_wait3A_132 = tpu.memref_squeeze %dma_wait3A_131 : memref<1x128x128xf32, #tpu.memory_space<hbm>> -> memref<128x128xf32, #tpu.memory_space<hbm>>
    %dma_wait3A_133 = arith.constant 0 : i32
    %dma_wait3A_134 = tpu.memref_slice %arg6[%dma_wait3A_129, %mul3A_2, %dma_wait3A_133] : memref<50x4096x128xf32, #tpu.memory_space<hbm>> -> memref<1x128x128xf32, #tpu.memory_space<hbm>>
    %dma_wait3A_135 = tpu.memref_squeeze %dma_wait3A_134 : memref<1x128x128xf32, #tpu.memory_space<hbm>> -> memref<128x128xf32, #tpu.memory_space<hbm>>
    tpu.wait_dma2 semaphore(%arg20 : memref<!tpu.dma_semaphore, #tpu.memory_space<semaphore_mem>>) src(%arg10 : memref<128x128xf32, #tpu.memory_space<vmem>>) dst(%dma_wait3A_135 : memref<128x128xf32, #tpu.memory_space<hbm>>)
    %dma_wait3A_136 = arith.constant 48 : i32
    %dma_wait3A_137 = arith.constant 0 : i32
    %dma_wait3A_138 = tpu.memref_slice %arg6[%dma_wait3A_136, %mul3A_2, %dma_wait3A_137] : memref<50x4096x128xf32, #tpu.memory_space<hbm>> -> memref<1x128x128xf32, #tpu.memory_space<hbm>>
    %dma_wait3A_139 = tpu.memref_squeeze %dma_wait3A_138 : memref<1x128x128xf32, #tpu.memory_space<hbm>> -> memref<128x128xf32, #tpu.memory_space<hbm>>
    %dma_wait3A_140 = arith.constant 0 : i32
    %dma_wait3A_141 = tpu.memref_slice %arg6[%dma_wait3A_136, %mul3A_2, %dma_wait3A_140] : memref<50x4096x128xf32, #tpu.memory_space<hbm>> -> memref<1x128x128xf32, #tpu.memory_space<hbm>>
    %dma_wait3A_142 = tpu.memref_squeeze %dma_wait3A_141 : memref<1x128x128xf32, #tpu.memory_space<hbm>> -> memref<128x128xf32, #tpu.memory_space<hbm>>
    tpu.wait_dma2 semaphore(%arg21 : memref<!tpu.dma_semaphore, #tpu.memory_space<semaphore_mem>>) src(%arg11 : memref<128x128xf32, #tpu.memory_space<vmem>>) dst(%dma_wait3A_142 : memref<128x128xf32, #tpu.memory_space<hbm>>)
    %dma_wait3A_143 = arith.constant 49 : i32
    %dma_wait3A_144 = arith.constant 0 : i32
    %dma_wait3A_145 = tpu.memref_slice %arg6[%dma_wait3A_143, %mul3A_2, %dma_wait3A_144] : memref<50x4096x128xf32, #tpu.memory_space<hbm>> -> memref<1x128x128xf32, #tpu.memory_space<hbm>>
    %dma_wait3A_146 = tpu.memref_squeeze %dma_wait3A_145 : memref<1x128x128xf32, #tpu.memory_space<hbm>> -> memref<128x128xf32, #tpu.memory_space<hbm>>
    %dma_wait3A_147 = arith.constant 0 : i32
    %dma_wait3A_148 = tpu.memref_slice %arg6[%dma_wait3A_143, %mul3A_2, %dma_wait3A_147] : memref<50x4096x128xf32, #tpu.memory_space<hbm>> -> memref<1x128x128xf32, #tpu.memory_space<hbm>>
    %dma_wait3A_149 = tpu.memref_squeeze %dma_wait3A_148 : memref<1x128x128xf32, #tpu.memory_space<hbm>> -> memref<128x128xf32, #tpu.memory_space<hbm>>
    tpu.wait_dma2 semaphore(%arg22 : memref<!tpu.dma_semaphore, #tpu.memory_space<semaphore_mem>>) src(%arg12 : memref<128x128xf32, #tpu.memory_space<vmem>>) dst(%dma_wait3A_149 : memref<128x128xf32, #tpu.memory_space<hbm>>)
    return
  }
}

</mosaic_0001>

<sc_bundles>
// kernel: _gather_all.3.cloned.1.call-start
scs
__scs_entry_jumppad:
0x0: {  	(pc) =	sbr.rel $0x88, $3  }
0x1: {  	(tag) =	ssettag $0x0;
	lr =	simm.s32 $0x1  }
0x2: {  	[smem:$0x3F9E] =	sst lr;
	_ =	strace $0xD0000000  }
0x3: {  	_ = 	snop  }
0x4: {  	_ = 	snop  }
0x5: {  	_ = 	snop  }
0x6: {  	_ = 	snop  }
0x7: {  	_ = 	snop  }
__scs_overlays_trampoline_lowered:
0x8: {  	[smem:$0x3FAD] =	sst s0  }
0x9: {  	[smem:$0x3FAE] =	sst s1  }
0xa: {  	[smem:$0x3FAF] =	sst s2  }
0xb: {  	[smem:$0x3FB0] =	sst s3  }
0xc: {  	[smem:$0x3FB1] =	sst s4  }
0xd: {  	[smem:$0x3FB2] =	sst s5  }
0xe: {  	[smem:$0x3FB3] =	sst s6  }
0xf: {  	[smem:$0x3FB4] =	sst s7  }
0x10: {  	[smem:$0x3FB5] =	sst s8  }
0x11: {  	[smem:$0x3FB6] =	sst s9;
	s0 =	simm.s32 @!p0 $0x0  }
0x12: {  	s1 =	sld [smem:$0x3F9C];
	s0 =	simm.s32 @p0 $0x1  }
0x13: {  	[smem:$0x3FB7] =	sst s0;
	s0 =	simm.s32 @!p1 $0x0  }
0x14: {  	s2 =	sld [smem:$0x3F9B];
	s0 =	simm.s32 @p1 $0x1  }
0x15: {  	[smem:$0x3FB8] =	sst s0;
	s0 =	simm.s32 @!p2 $0x0  }
0x16: {  	s3 =	sld [smem:$0x3FDB];
	s0 =	simm.s32 @p2 $0x1  }
0x17: {  	s4 =	simm.s32 $0x1BF5;
	[smem:$0x3FBA] =	sst s0  }
0x18: {  	s0 =	sld [smem:$0x3F9D];
	_ =	swait.ge [sflag:s4], $0x0  }
0x19: {  	s7 =	sld [smem:$0x3F9E]  }
0x1a: {  	s8 =	sadd.s32 $0xFFFFE003, lr  }
0x1b: {  	s9 =	sadd.s32 $0xFFFFFEF7, lr;
	s5 =	simm.s32 $0xFFFFFFFF;
	p2 =	slt.u32 s8, $0xFFFFF086  }
0x1c: {  	p1 =	slt.u32 s9, $0xF7A;
	s5 =	simm.s32 @!p2 $0x0  }
0x1d: {  	s5 =	simm.s32 @p1 $0x1;
	p0 =	seq.s32 s7, s2  }
0x1e: {  	s7 =	smul.u32 @!p0 $0xF7A, s2;
	p2 =	seq.s32 @!p0 s5, $0x0  }
0x1f: {  	s9 =	smul.u32 $0xF7A, s1;
	s8 =	simm.s32 @!p0 $0x1BF5;
	p2 =	por !p2, p0  }
0x20: {  	[sflag:s8] =	ssyncset.s32 @!p0 $0xFFFFF086;
	s6 =	sadd.s32 @!p0 s3, s7;
	s7 =	simm.s32 @!p0 $0x108  }
0x21: {  	s3 =	sadd.s32 s3, s9;
	s6 =	sadd.s32 @!p0 $0x88, s6;
	s7 =	simm.s32 @p2 $0x1082  }
0x22: {  	[simem:s7], [sflag:s8] =	dma.local @!p0 [hbm:s6], $0xF7A  }
0x23: {  	s9 =	sor.u32 $0xD0000000, s2;
	s6 =	simm.s32 $0x108;
	_ =	swait.ge @!p0 [sflag:s8], $0x0  }
0x24: {  	s3 =	sadd.s32 $0x88, s3;
	s6 =	simm.s32 @!p1 $0x1082;
	[sflag:s4] =	ssyncset.s32 $0xFFFFF086  }
0x25: {  	[simem:s6], [sflag:s4] =	dma.local [hbm:s3], $0xF7A  }
0x26: {  	[smem:$0x3F9E] =	sst s1;
	(tag) =	ssettag s2;
	_ =	strace s9  }
0x27: {  	s1 =	sld [smem:$0x3FAE]  }
0x28: {  	s2 =	sld [smem:$0x3FAF]  }
0x29: {  	s4 =	sld [smem:$0x3FB1]  }
0x2a: {  	p0 =	seq.s32 s5, $0x0;
	s5 =	sld [smem:$0x3FB2]  }
0x2b: {  	s6 =	sld [smem:$0x3FB3]  }
0x2c: {  	s7 =	sld [smem:$0x3FB4]  }
0x2d: {  	s3 =	simm.s32 $0x108;
	s8 =	sld [smem:$0x3FB5]  }
0x2e: {  	s3 =	simm.s32 @!p0 $0x1082;
	s9 =	sld [smem:$0x3FB6]  }
0x2f: {  	lr =	sadd.s32 s0, s3;
	s0 =	sld [smem:$0x3FAD]  }
0x30: {  	s3 =	sld [smem:$0x3FB0]  }
0x31: {  	[smem:$0x3FB9] =	sst s10  }
0x32: {  	s10 =	sld [smem:$0x3FB7];
	_ =	sdelay $0x3  }
0x33: {  	p0 =	seq.s32 s10, $0x1;
	s10 =	sld [smem:$0x3FB9];
	_ =	sdelay $0x3  }
0x34: {  	[smem:$0x3FB9] =	sst s10  }
0x35: {  	s10 =	sld [smem:$0x3FB8];
	_ =	sdelay $0x3  }
0x36: {  	p1 =	seq.s32 s10, $0x1;
	s10 =	sld [smem:$0x3FB9];
	_ =	sdelay $0x3  }
0x37: {  	[smem:$0x3FB9] =	sst s10  }
0x38: {  	s10 =	sld [smem:$0x3FBA]  }
0x39: {  	_ = 	snop;
	(pc) =	sbr.ind lr, $3  }
0x3a: {  	_ = 	snop  }
0x3b: {  	_ = 	snop  }
0x3c: {  	p2 =	seq.s32 s10, $0x1;
	s10 =	sld [smem:$0x3FB9]  }
0x3d: {  	_ =	shalt  }
0x3e: {  	_ =	shalt  }
0x3f: {  	_ =	shalt  }
0x40: {  	_ =	shalt  }
0x41: {  	_ =	shalt  }
0x42: {  	_ =	shalt  }
0x43: {  	_ =	shalt  }
0x44: {  	_ =	shalt  }
0x45: {  	_ =	shalt  }
0x46: {  	_ =	shalt  }
0x47: {  	_ =	shalt  }
0x48: {  	_ =	shalt  }
0x49: {  	_ =	shalt  }
0x4a: {  	_ =	shalt  }
0x4b: {  	_ =	shalt  }
0x4c: {  	_ =	shalt  }
0x4d: {  	_ =	shalt  }
0x4e: {  	_ =	shalt  }
0x4f: {  	_ =	shalt  }
0x50: {  	_ =	shalt  }
0x51: {  	_ =	shalt  }
0x52: {  	_ =	shalt  }
0x53: {  	_ =	shalt  }
0x54: {  	_ =	shalt  }
0x55: {  	_ =	shalt  }
0x56: {  	_ =	shalt  }
0x57: {  	_ =	shalt  }
0x58: {  	_ =	shalt  }
0x59: {  	_ =	shalt  }
0x5a: {  	_ =	shalt  }
0x5b: {  	_ =	shalt  }
0x5c: {  	_ =	shalt  }
0x5d: {  	_ =	shalt  }
0x5e: {  	_ =	shalt  }
0x5f: {  	_ =	shalt  }
0x60: {  	_ =	shalt  }
0x61: {  	_ =	shalt  }
0x62: {  	_ =	shalt  }
0x63: {  	_ =	shalt  }
0x64: {  	_ =	shalt  }
0x65: {  	_ =	shalt  }
0x66: {  	_ =	shalt  }
0x67: {  	_ =	shalt  }
0x68: {  	_ =	shalt  }
0x69: {  	_ =	shalt  }
0x6a: {  	_ =	shalt  }
0x6b: {  	_ =	shalt  }
0x6c: {  	_ =	shalt  }
0x6d: {  	_ =	shalt  }
0x6e: {  	_ =	shalt  }
0x6f: {  	_ =	shalt  }
0x70: {  	_ =	shalt  }
0x71: {  	_ =	shalt  }
0x72: {  	_ =	shalt  }
0x73: {  	_ =	shalt  }
0x74: {  	_ =	shalt  }
0x75: {  	_ =	shalt  }
0x76: {  	_ =	shalt  }
0x77: {  	_ =	shalt  }
0x78: {  	_ =	shalt  }
0x79: {  	_ =	shalt  }
0x7a: {  	_ =	shalt  }
0x7b: {  	_ =	shalt  }
0x7c: {  	_ =	shalt  }
0x7d: {  	_ =	shalt  }
0x7e: {  	_ =	shalt  }
0x7f: {  	_ =	shalt  }
0x80: {  	_ =	shalt  }
0x81: {  	_ =	shalt  }
0x82: {  	_ =	shalt  }
0x83: {  	_ =	shalt  }
0x84: {  	_ =	shalt  }
0x85: {  	_ =	shalt  }
0x86: {  	_ =	shalt  }
0x87: {  	_ =	shalt  }
.Lfunc_end0:
.L_simem_size_0:
called_computation_lowered:
.L_overlay_start_0:
0x88: {  	s2 =	sld [smem:$0x3FD9]  }
0x89: {  	s3 =	sld [smem:$0x3FFE];
	_ =	sdelay $0x1  }
0x8a: {  	s1 =	srdreg.scid  }
0x8b: {  	s0 =	sand.u32 $0x1, s1  }
0x8c: {  	s14 =	sshll.u32 s0, $0xA;
	s2 =	sadd.s32 s3, s2  }
0x8d: {  	s2 =	sadd.s32 s2, s14  }
0x8e: {  	[smem:$0x3FC5] =	sst s2  }
0x8f: {  	_ = 	snop  }
0x90: {  	s2 =	sld [smem:$0x3FD0];
	_ =	sdelay $0x2  }
0x91: {  	s4 =	simm.s32 $0xA;
	s5 =	simm.s32 $0x10;
	s15 =	sld [smem:$0x3FC7]  }
0x92: {  	[smem:s5], [sflag:s4] =	dma.local [hbm:s2], $0x1  }
0x93: {  	_ =	swait.eq [sflag:s4], $0x1  }
0x94: {  	[sflag:s4] =	ssyncset.done $0x0  }
0x95: {  	s16 =	sld [smem:$0x10];
	[sflag:s4] =	ssyncadd.s32 $0xFFFFFFFF  }
0x96: {  	s17 =	sld [smem:$0x11];
	(tm) =	ssettm $0x1  }
0x97: {  	s18 =	sld [smem:$0x3FFB];
	_ =	sdelay $0x3  }
0x98: {  	_ =	strace s18  }
0x99: {  	s5 =	sld [smem:$0x3FFC];
	_ =	sdelay $0x3  }
0x9a: {  	_ =	strace s5  }
0x9b: {  	s5 =	sld [smem:$0x3FFD];
	_ =	sdelay $0x3  }
0x9c: {  	_ =	strace s5  }
0x9d: {  	_ =	strace $0x8FFFFFFF  }
0x9e: {  	s19 =	sld [smem:$0x3FDB];
	_ =	sdelay $0x1  }
0x9f: {  	s6 =	simm.s32 $_scs_section_size  }
0xa0: {  	s7 =	simm.s32 $_size__tile_overlayer_lowered;
	s8 =	simm.s32 $_tile_overlayer_lowered  }
0xa1: {  	s22 =	simm.s32 $0x1BFF;
	s21 =	sshll.u32 s8, $0x1;
	s5 =	sadd.s32 s6, s19  }
0xa2: {  	s9 =	simm.s32 $0x0;
	s20 =	sshll.u32 s7, $0x1;
	s7 =	sadd.s32 s21, s5  }
0xa3: {  	[timem:s9], [sflag:s22] =	dma.local [hbm:s7], s20  }
0xa4: {  	_ =	swait.ge [sflag:s22], s20  }
0xa5: {  	s6 =	ssub.s32 $0x0, s20;
	[sflag:s22] =	ssyncset.done $0x0  }
0xa6: {  	[sflag:s22] =	ssyncadd.s32 s6;
	_ =	sdelay $0x1  }
0xa7: {  	s23 =	simm.s32 $0x1B8B  }
0xa8: {  	_ =	swait.ge [sflag:s23], $0x1  }
0xa9: {  	[sflag:s23] =	ssyncset.done $0x0  }
0xaa: {  	s25 =	simm.s32 $0x1B8E;
	s24 =	sld [smem:$0x3FFE];
	[sflag:s23] =	ssyncadd.s32 $0xFFFFFFFF  }
0xab: {  	s26 =	simm.s32 $execute0_lowered;
	[smem:$0x3FD2] =	sst s25  }
0xac: {  	s7 =	sshll.u32 s26, $0x1;
	_ =	strace $0x80000046;
	[dreg:$0x1] =	wrdreg $0xFFFFFFFF  }
0xad: {  	s28 =	simm.s32 $_size_execute0_lowered;
	s5 =	sadd.s32 s5, s7;
	[dreg:$0x0] =	wrdreg $0x0  }
0xae: {  	s7 =	sshll.u32 s28, $0x1;
	[dreg:$0x2] =	wrdreg s5  }
0xaf: {  	[dreg:$0x3] =	wrdreg s7  }
0xb0: {  	[dreg:$0x4] =	wrdreg $0xC0  }
0xb1: {  	_ =	task [dreg:s9], $0x5FFFF  }
0xb2: {  	[dreg:$0x1] =	wrdreg $0xFFFFFFFF  }
0xb3: {  	[dreg:$0x0] =	wrdreg $0x60  }
0xb4: {  	[dreg:$0x2] =	wrdreg s24  }
0xb5: {  	[dreg:$0x3] =	wrdreg s15  }
0xb6: {  	[dreg:$0x4] =	wrdreg s16  }
0xb7: {  	[dreg:$0x5] =	wrdreg s17  }
0xb8: {  	[dreg:$0x6] =	wrdreg $0x9  }
0xb9: {  	_ =	task.clear_ibuf [dreg:s9], $0x7FFFF;
	_ =	strace $0x90000046  }
0xba: {  	s29 =	simm.s32 $0x9;
	_ =	strace $0x80000048  }
0xbb: {  	_ =	swait.ge [sflag:s29], $0x1  }
0xbc: {  	[sflag:s29] =	ssyncadd.s32 $0xFFFFFFFF  }
0xbd: {  	_ =	strace $0x90000048  }
0xbe: {  	_ =	sfence  }
0xbf: {  	s30 =	sld [smem:$0x0];
	_ =	sdelay $0x2  }
0xc0: {  	s31 =	sshll.u32 s1, $0xD;
	s1 =	sshrl.u32 s1, $0x2  }
0xc1: {  	s3 =	sand.u32 $0x4000, s31;
	s1 =	sadd.s32 s1, s30  }
0xc2: {  	s0 =	sor.u32 s3, s0;
	s1 =	sshll.u32 s1, $0x11  }
0xc3: {  	s0 =	sor.u32 s1, s0  }
0xc4: {  	s0 =	sadd.s32 $0x8F2B, s0  }
0xc5: {  	[sflag:s0] =	ssyncadd.remote.s32 $0x1  }
0xc6: {  	_ =	sfence.sel $0xFFFF  }
0xc7: {  	[dreg:$0x0] =	wrdreg $0xFFFFFFFF;
	(pc) =	sbr.abs _section_cstart, $3  }
0xc8: {  	[dreg:$0x1] =	wrdreg $0xFFFFFFFF  }
0xc9: {  	_ =	task.clear_ibuf [dreg:s9], $0x2FFFF;
	_ =	strace $0x9FFFFFFF  }
0xca: {  	(tm) =	ssettm $0x7FFFFFFF  }
0xcb: {  	_ =	shalt  }
tec
execute0_lowered:
.L_overlay_start_1:
0x0: {  	(tag) =	ssettag $0x1  }
0x1: {  	s0 =	rddreg [dreg:$0x0]  }
0x2: {  	s1 =	rddreg [dreg:$0x1]  }
0x3: {  	s2 =	srdreg.scid;
	s4 =	rddreg [dreg:$0x2]  }
0x4: {  	s8 =	stileid.u32;
	s5 =	rddreg [dreg:$0x3]  }
0x5: {  	s28 =	simm.s32 $0x1;
	s29 =	simm.s32 $0x2;
	s30 =	simm.s32 $0x3  }
0x6: {  	s31 =	simm.s32 $0x4;
	s2 =	sand.u32 $0x1, s2;
	s3 =	sshll.u32 s8, $0x1  }
0x7: {  	s8 =	sshll.u32 s8, $0xF;
	s6 =	sor.u32 s2, s3;
	s3 =	simm.s32 $0x0  }
0x8: {  	s14 =	ssub.s32 $0x2, s2;
	s2 =	sshll.u32 s2, $0xE;
	s6 =	smul.u32 $0x380, s6  }
0x9: {  	[smem:$0x7FF] =	sst s3;
	s7 =	sshrl.u32 s14, $0x1;
	s2 =	sor.u32 s2, s8  }
0xa: {  	_ =	strace $0x80000047;
	s16 =	sor.u32 $0x100000, s2;
	s17 =	sor.u32 $0x80000, s2  }
0xb: {  	s21 =	sor.u32 $0x200000, s2;
	s8 =	sshrl.u32 s2, $0x3;
	s2 =	sor.u32 $0x180000, s2  }
0xc: {  	s0 =	sadd.s32 s6, s0;
	s6 =	ssub.s32 s14, s7;
	s9 =	sadd.s32 s8, s4  }
0xd: {  	s18 =	sshrl.u32 s17, $0x3;
	s24 =	sadd.s32 s8, s5;
	[dreg:$0xa] =	wrdreg s9  }
0xe: {  	s7 =	sshrl.u32 s21, $0x3;
	s15 =	sadd.s32 $0x600, s0;
	[dreg:$0xf] =	wrdreg s24  }
0xf: {  	s2 =	sshrl.u32 s2, $0x3;
	s0 =	sadd.s32 $0x7600, s0;
	[dreg:$0x5] =	wrdreg s15  }
0x10: {  	s17 =	simm.s32 $0xB;
	s6 =	smax.u32 s6, $0x1;
	[dreg:$0x6] =	wrdreg s0  }
0x11: {  	s8 =	simm.s32 $0x0;
	s20 =	sadd.s32 s18, s4;
	[dreg:$0x7] =	wrdreg s6  }
0x12: {  	s22 =	sadd.s32 s7, s4;
	s23 =	sadd.s32 s18, s5;
	[dreg:$0x9] =	wrdreg s20  }
0x13: {  	s25 =	sadd.s32 s7, s5;
	s26 =	sadd.s32 s2, s5;
	[dreg:$0xb] =	wrdreg s22  }
0x14: {  	s18 =	simm.s32 $0x80;
	s24 =	simm.s32 $0xDC00;
	[dreg:$0xe] =	wrdreg s23  }
0x15: {  	s7 =	simm.s32 $0xA;
	s0 =	sshrl.u32 s16, $0x3;
	[dreg:$0x10] =	wrdreg s25  }
0x16: {  	[dreg:$0x11] =	wrdreg s26;
	s20 =	simm.s32 $0x5C00;
	s22 =	simm.s32 $0x9C00  }
.Ltmp0:
0x17: {  	s25 =	simm.s32 $0x200;
	s19 =	sadd.s32 s0, s4;
	(pc) =	sbr.rel .LBB2_1-.Ltmp0, $4  }
0x18: {  	s26 =	simm.s32 $0x11C00;
	s4 =	sadd.s32 s2, s4;
	[dreg:$0x8] =	wrdreg s19  }
0x19: {  	s6 =	simm.s32 $0x9;
	s0 =	sadd.s32 s0, s5;
	[dreg:$0xc] =	wrdreg s4  }
0x1a: {  	s2 =	simm.s32 $0x5;
	s5 =	simm.s32 $0x8;
	[dreg:$0xd] =	wrdreg s0  }
0x1b: {  	s19 =	simm.s32 $0x1C00;
	s0 =	simm.s32 $0x6;
	s4 =	simm.s32 $0x7  }
.LBB2_7:
0x1c: {  	_ =	swait.ge [sflag:s0], $0x4000  }
0x1d: {  	[sflag:s0] =	ssyncset.done $0x0  }
0x1e: {  	[sflag:s0] =	ssyncadd.s32 $0xFFFFC000  }
0x1f: {  	_ =	swait.ge [sflag:s4], $0x4000  }
0x20: {  	[sflag:s4] =	ssyncset.done $0x0  }
0x21: {  	[sflag:s4] =	ssyncadd.s32 $0xFFFFC000  }
0x22: {  	_ =	swait.ge [sflag:s5], $0x4000  }
0x23: {  	[sflag:s5] =	ssyncset.done $0x0  }
0x24: {  	[sflag:s5] =	ssyncadd.s32 $0xFFFFC000  }
0x25: {  	_ =	swait.ge [sflag:s6], $0x4000  }
0x26: {  	[sflag:s6] =	ssyncset.done $0x0  }
0x27: {  	[sflag:s6] =	ssyncadd.s32 $0xFFFFC000  }
0x28: {  	_ =	swait.ge [sflag:s7], $0x4000  }
0x29: {  	s8 =	sadd.s32 $0x1, s8;
	s9 =	rddreg [dreg:$0x7]  }
0x2a: {  	p0 =	sne.s32 s8, s9  }
.Ltmp1:
0x2b: {  	_ = 	snop;
	(pc) =	sbr.rel @!p0 .LBB2_8-.Ltmp1, $3  }
0x2c: {  	_ =	sdelay $0x1  }
0x2d: {  	[sflag:s7] =	ssyncset.done $0x0  }
0x2e: {  	[sflag:s7] =	ssyncadd.s32 $0xFFFFC000  }
.LBB2_1:
0x2f: {  	s9 =	rddreg [dreg:$0x5]  }
0x30: {  	[tilespmem:s3], [sflag:$0xB] =	stream.linear.gather [hbm4b:s9+s3], $0x1900, $0x38;
	[tilespmem:$0x15C00] =	vst v63  }
0x31: {  	_ =	swait.ge [sflag:s17], $0x1900  }
0x32: {  	[sflag:s17] =	ssyncset.done $0x0  }
0x33: {  	s9 =	rddreg [dreg:$0xc];
	[sflag:s17] =	ssyncadd.s32 $0xFFFFE700  }
0x34: {  	[tilespmem:s19], [sflag:$0x1] =	stream.indirect.gather [hbm4b:s1+s18], $0x80, s3, s18, $0xb8;
	[tilespmem:$0x15C00] =	vst v63  }
0x35: {  	s10 =	rddreg [dreg:$0xb]  }
0x36: {  	[tilespmem:s20], [sflag:$0x2] =	stream.indirect.gather [hbm4b:s1+s18], $0x80, s18, s18, $0xb8;
	[tilespmem:$0x15C00] =	vst v63  }
0x37: {  	s21 =	simm.s32 $0x100;
	s11 =	rddreg [dreg:$0xa]  }
0x38: {  	[tilespmem:s22], [sflag:$0x3] =	stream.indirect.gather [hbm4b:s1+s18], $0x80, s21, s18, $0xb8;
	[tilespmem:$0x15C00] =	vst v63  }
0x39: {  	s23 =	simm.s32 $0x180;
	s12 =	rddreg [dreg:$0x9]  }
0x3a: {  	[tilespmem:s24], [sflag:$0x4] =	stream.indirect.gather [hbm4b:s1+s18], $0x80, s23, s18, $0xb8;
	[tilespmem:$0x15C00] =	vst v63  }
0x3b: {  	s14 =	simm.s32 $0x0;
	s13 =	rddreg [dreg:$0x8]  }
0x3c: {  	[tilespmem:s26], [sflag:$0x5] =	stream.indirect.gather [hbm4b:s1+s18], $0x80, s25, s18, $0xb8;
	[tilespmem:$0x15C00] =	vst v63  }
.LBB2_2:
0x3d: {  	_ =	swait.ge [sflag:s28], $0x4000  }
0x3e: {  	p0 =	seq.s32 s14, $0x0;
	[sflag:s28] =	ssyncset.done $0x0  }
0x3f: {  	s21 =	simm.s32 @!p0 $0x9;
	[sflag:s28] =	ssyncadd.s32 $0xFFFFC000  }
0x40: {  	[hbm4b:s11+s3] =	stream.linear.scatter [tilespmem:s19], [sflag:$0x6], $0x4000, $0x38;
	[tilespmem:$0x15C00] =	vst v63  }
0x41: {  	_ =	swait.ge @!p0 [sflag:s21], $0x4000  }
0x42: {  	[sflag:s21] =	ssyncset.done @!p0 $0x0  }
0x43: {  	[sflag:s21] =	ssyncadd.s32 @!p0 $0xFFFFC000;
	s21 =	sshra.s32 @!p0 s14, $0x2  }
0x44: {  	s16 =	simm.s32 @!p0 $0x80;
	s23 =	simm.s32 @!p0 $0xDC00;
	s15 =	sadd.s32 @!p0 $0x180, s21  }
0x45: {  	[tilespmem:s23], [sflag:$0x4] =	stream.indirect.gather @!p0 [hbm4b:s1+s16], $0x80, s15, s16, $0xb8;
	[tilespmem:$0x15C00] =	vst v63  }
0x46: {  	_ =	swait.ge [sflag:s29], $0x4000  }
0x47: {  	[sflag:s29] =	ssyncset.done $0x0  }
0x48: {  	s15 =	simm.s32 @!p0 $0xA;
	[sflag:s29] =	ssyncadd.s32 $0xFFFFC000  }
0x49: {  	[hbm4b:s12+s3] =	stream.linear.scatter [tilespmem:s20], [sflag:$0x7], $0x4000, $0x38;
	[tilespmem:$0x15C00] =	vst v63  }
0x4a: {  	_ =	swait.ge @!p0 [sflag:s15], $0x4000  }
0x4b: {  	[sflag:s15] =	ssyncset.done @!p0 $0x0  }
0x4c: {  	[sflag:s15] =	ssyncadd.s32 @!p0 $0xFFFFC000;
	s15 =	sadd.s32 @!p0 $0x200, s21;
	s21 =	simm.s32 @!p0 $0x11C00  }
0x4d: {  	[tilespmem:s21], [sflag:$0x5] =	stream.indirect.gather @!p0 [hbm4b:s1+s16], $0x80, s15, s16, $0xb8;
	[tilespmem:$0x15C00] =	vst v63  }
0x4e: {  	_ =	swait.ge [sflag:s30], $0x4000  }
0x4f: {  	p0 =	seq.s32 s14, $0x5A00;
	[sflag:s30] =	ssyncset.done $0x0  }
0x50: {  	s15 =	simm.s32 @!p0 $0x6;
	[sflag:s30] =	ssyncadd.s32 $0xFFFFC000  }
0x51: {  	[hbm4b:s13+s3] =	stream.linear.scatter [tilespmem:s22], [sflag:$0x8], $0x4000, $0x38;
	[tilespmem:$0x15C00] =	vst v63  }
0x52: {  	_ =	swait.ge @!p0 [sflag:s15], $0x4000  }
0x53: {  	[sflag:s15] =	ssyncset.done @!p0 $0x0  }
0x54: {  	[sflag:s15] =	ssyncadd.s32 @!p0 $0xFFFFC000;
	s15 =	sshra.s32 @!p0 s14, $0x2  }
0x55: {  	s21 =	simm.s32 @!p0 $0x80;
	s23 =	simm.s32 @!p0 $0x1C00;
	s16 =	sadd.s32 @!p0 $0x280, s15  }
0x56: {  	[tilespmem:s23], [sflag:$0x1] =	stream.indirect.gather @!p0 [hbm4b:s1+s21], $0x80, s16, s21, $0xb8;
	[tilespmem:$0x15C00] =	vst v63  }
0x57: {  	_ =	swait.ge [sflag:s31], $0x4000  }
0x58: {  	[sflag:s31] =	ssyncset.done $0x0  }
0x59: {  	s16 =	simm.s32 @!p0 $0x7;
	[sflag:s31] =	ssyncadd.s32 $0xFFFFC000  }
0x5a: {  	[hbm4b:s9+s3] =	stream.linear.scatter [tilespmem:s24], [sflag:$0x9], $0x4000, $0x38;
	[tilespmem:$0x15C00] =	vst v63  }
0x5b: {  	_ =	swait.ge @!p0 [sflag:s16], $0x4000  }
0x5c: {  	[sflag:s16] =	ssyncset.done @!p0 $0x0  }
0x5d: {  	s15 =	sadd.s32 @!p0 $0x300, s15;
	[sflag:s16] =	ssyncadd.s32 @!p0 $0xFFFFC000;
	s16 =	simm.s32 @!p0 $0x5C00  }
0x5e: {  	[tilespmem:s16], [sflag:$0x2] =	stream.indirect.gather @!p0 [hbm4b:s1+s21], $0x80, s15, s21, $0xb8;
	[tilespmem:$0x15C00] =	vst v63  }
.Ltmp2:
0x5f: {  	_ = 	snop;
	(pc) =	sbr.rel @p0 .LBB2_4-.Ltmp2, $4  }
0x60: {  	_ =	swait.ge [sflag:s2], $0x4000  }
0x61: {  	[sflag:s2] =	ssyncset.done $0x0  }
0x62: {  	[sflag:s2] =	ssyncadd.s32 $0xFFFFC000  }
0x63: {  	[hbm4b:s10+s3] =	stream.linear.scatter [tilespmem:s26], [sflag:$0xA], $0x4000, $0x38;
	[tilespmem:$0x15C00] =	vst v63  }
.Ltmp3:
0x64: {  	_ =	swait.ge [sflag:s5], $0x4000;
	s15 =	sshra.s32 s14, $0x2;
	(pc) =	sbr.rel .LBB2_2-.Ltmp3, $4  }
0x65: {  	s14 =	sadd.s32 $0xA00, s14;
	s13 =	sadd.s32 $0x50000, s13;
	s12 =	sadd.s32 $0x50000, s12  }
0x66: {  	s11 =	sadd.s32 $0x50000, s11;
	s10 =	sadd.s32 $0x50000, s10;
	[sflag:s5] =	ssyncset.done $0x0  }
0x67: {  	s9 =	sadd.s32 $0x50000, s9;
	s15 =	sadd.s32 $0x380, s15;
	[sflag:s5] =	ssyncadd.s32 $0xFFFFC000  }
0x68: {  	[tilespmem:s22], [sflag:$0x3] =	stream.indirect.gather [hbm4b:s1+s18], $0x80, s15, s18, $0xb8;
	[tilespmem:$0x15C00] =	vst v63  }
.LBB2_4:
0x69: {  	_ =	swait.ge [sflag:s0], $0x4000  }
0x6a: {  	[sflag:s0] =	ssyncset.done $0x0  }
0x6b: {  	[sflag:s0] =	ssyncadd.s32 $0xFFFFC000  }
0x6c: {  	_ =	swait.ge [sflag:s4], $0x4000  }
0x6d: {  	[sflag:s4] =	ssyncset.done $0x0  }
0x6e: {  	[sflag:s4] =	ssyncadd.s32 $0xFFFFC000  }
0x6f: {  	_ =	swait.ge [sflag:s5], $0x4000  }
0x70: {  	[sflag:s5] =	ssyncset.done $0x0  }
0x71: {  	[sflag:s5] =	ssyncadd.s32 $0xFFFFC000  }
0x72: {  	_ =	swait.ge [sflag:s6], $0x4000  }
0x73: {  	[sflag:s6] =	ssyncset.done $0x0  }
0x74: {  	[sflag:s6] =	ssyncadd.s32 $0xFFFFC000  }
0x75: {  	_ =	swait.ge [sflag:s7], $0x4000  }
0x76: {  	[sflag:s7] =	ssyncset.done $0x0  }
0x77: {  	s9 =	simm.s32 $0x0;
	s10 =	rddreg [dreg:$0x6];
	[sflag:s7] =	ssyncadd.s32 $0xFFFFC000  }
0x78: {  	[tilespmem:s9], [sflag:$0xB] =	stream.linear.gather [hbm4b:s10+s9], $0x1900, $0x38;
	[tilespmem:$0x15C00] =	vst v63  }
0x79: {  	_ =	swait.ge [sflag:s17], $0x1900  }
0x7a: {  	[sflag:s17] =	ssyncset.done $0x0  }
0x7b: {  	s10 =	rddreg [dreg:$0x11];
	[sflag:s17] =	ssyncadd.s32 $0xFFFFE700  }
0x7c: {  	[tilespmem:s19], [sflag:$0x1] =	stream.indirect.gather [hbm4b:s1+s18], $0x80, s9, s18, $0xb8;
	[tilespmem:$0x15C00] =	vst v63  }
0x7d: {  	s11 =	rddreg [dreg:$0x10]  }
0x7e: {  	[tilespmem:s20], [sflag:$0x2] =	stream.indirect.gather [hbm4b:s1+s18], $0x80, s18, s18, $0xb8;
	[tilespmem:$0x15C00] =	vst v63  }
0x7f: {  	s21 =	simm.s32 $0x100;
	s12 =	rddreg [dreg:$0xf]  }
0x80: {  	[tilespmem:s22], [sflag:$0x3] =	stream.indirect.gather [hbm4b:s1+s18], $0x80, s21, s18, $0xb8;
	[tilespmem:$0x15C00] =	vst v63  }
0x81: {  	s23 =	simm.s32 $0x180;
	s13 =	rddreg [dreg:$0xe]  }
0x82: {  	[tilespmem:s24], [sflag:$0x4] =	stream.indirect.gather [hbm4b:s1+s18], $0x80, s23, s18, $0xb8;
	[tilespmem:$0x15C00] =	vst v63  }
0x83: {  	s14 =	rddreg [dreg:$0xd]  }
0x84: {  	[tilespmem:s26], [sflag:$0x5] =	stream.indirect.gather [hbm4b:s1+s18], $0x80, s25, s18, $0xb8;
	[tilespmem:$0x15C00] =	vst v63  }
.LBB2_5:
0x85: {  	_ =	swait.ge [sflag:s28], $0x4000  }
0x86: {  	p0 =	seq.s32 s9, $0x0;
	[sflag:s28] =	ssyncset.done $0x0  }
0x87: {  	s15 =	simm.s32 @!p0 $0x9;
	[sflag:s28] =	ssyncadd.s32 $0xFFFFC000  }
0x88: {  	[hbm4b:s12+s3] =	stream.linear.scatter [tilespmem:s19], [sflag:$0x6], $0x4000, $0x38;
	[tilespmem:$0x15C00] =	vst v63  }
0x89: {  	_ =	swait.ge @!p0 [sflag:s15], $0x4000  }
0x8a: {  	[sflag:s15] =	ssyncset.done @!p0 $0x0  }
0x8b: {  	[sflag:s15] =	ssyncadd.s32 @!p0 $0xFFFFC000;
	s15 =	sshra.s32 @!p0 s9, $0x2  }
0x8c: {  	s21 =	simm.s32 @!p0 $0x80;
	s23 =	simm.s32 @!p0 $0xDC00;
	s16 =	sadd.s32 @!p0 $0x180, s15  }
0x8d: {  	[tilespmem:s23], [sflag:$0x4] =	stream.indirect.gather @!p0 [hbm4b:s1+s21], $0x80, s16, s21, $0xb8;
	[tilespmem:$0x15C00] =	vst v63  }
0x8e: {  	_ =	swait.ge [sflag:s29], $0x4000  }
0x8f: {  	[sflag:s29] =	ssyncset.done $0x0  }
0x90: {  	s16 =	simm.s32 @!p0 $0xA;
	[sflag:s29] =	ssyncadd.s32 $0xFFFFC000  }
0x91: {  	[hbm4b:s13+s3] =	stream.linear.scatter [tilespmem:s20], [sflag:$0x7], $0x4000, $0x38;
	[tilespmem:$0x15C00] =	vst v63  }
0x92: {  	_ =	swait.ge @!p0 [sflag:s16], $0x4000  }
0x93: {  	[sflag:s16] =	ssyncset.done @!p0 $0x0  }
0x94: {  	s15 =	sadd.s32 @!p0 $0x200, s15;
	[sflag:s16] =	ssyncadd.s32 @!p0 $0xFFFFC000;
	s16 =	simm.s32 @!p0 $0x11C00  }
0x95: {  	[tilespmem:s16], [sflag:$0x5] =	stream.indirect.gather @!p0 [hbm4b:s1+s21], $0x80, s15, s21, $0xb8;
	[tilespmem:$0x15C00] =	vst v63  }
0x96: {  	_ =	swait.ge [sflag:s30], $0x4000  }
0x97: {  	p0 =	seq.s32 s9, $0x5A00;
	[sflag:s30] =	ssyncset.done $0x0  }
0x98: {  	s15 =	simm.s32 @!p0 $0x6;
	[sflag:s30] =	ssyncadd.s32 $0xFFFFC000  }
0x99: {  	[hbm4b:s14+s3] =	stream.linear.scatter [tilespmem:s22], [sflag:$0x8], $0x4000, $0x38;
	[tilespmem:$0x15C00] =	vst v63  }
0x9a: {  	_ =	swait.ge @!p0 [sflag:s15], $0x4000  }
0x9b: {  	[sflag:s15] =	ssyncset.done @!p0 $0x0  }
0x9c: {  	[sflag:s15] =	ssyncadd.s32 @!p0 $0xFFFFC000;
	s15 =	sshra.s32 @!p0 s9, $0x2  }
0x9d: {  	s21 =	simm.s32 @!p0 $0x80;
	s23 =	simm.s32 @!p0 $0x1C00;
	s16 =	sadd.s32 @!p0 $0x280, s15  }
0x9e: {  	[tilespmem:s23], [sflag:$0x1] =	stream.indirect.gather @!p0 [hbm4b:s1+s21], $0x80, s16, s21, $0xb8;
	[tilespmem:$0x15C00] =	vst v63  }
0x9f: {  	_ =	swait.ge [sflag:s31], $0x4000  }
0xa0: {  	[sflag:s31] =	ssyncset.done $0x0  }
0xa1: {  	s16 =	simm.s32 @!p0 $0x7;
	[sflag:s31] =	ssyncadd.s32 $0xFFFFC000  }
0xa2: {  	[hbm4b:s10+s3] =	stream.linear.scatter [tilespmem:s24], [sflag:$0x9], $0x4000, $0x38;
	[tilespmem:$0x15C00] =	vst v63  }
0xa3: {  	_ =	swait.ge @!p0 [sflag:s16], $0x4000  }
0xa4: {  	[sflag:s16] =	ssyncset.done @!p0 $0x0  }
0xa5: {  	s15 =	sadd.s32 @!p0 $0x300, s15;
	[sflag:s16] =	ssyncadd.s32 @!p0 $0xFFFFC000;
	s16 =	simm.s32 @!p0 $0x5C00  }
0xa6: {  	[tilespmem:s16], [sflag:$0x2] =	stream.indirect.gather @!p0 [hbm4b:s1+s21], $0x80, s15, s21, $0xb8;
	[tilespmem:$0x15C00] =	vst v63  }
.Ltmp4:
0xa7: {  	_ = 	snop;
	(pc) =	sbr.rel @p0 .LBB2_7-.Ltmp4, $4  }
0xa8: {  	_ =	swait.ge [sflag:s2], $0x4000  }
0xa9: {  	[sflag:s2] =	ssyncset.done $0x0  }
0xaa: {  	[sflag:s2] =	ssyncadd.s32 $0xFFFFC000  }
0xab: {  	[hbm4b:s11+s3] =	stream.linear.scatter [tilespmem:s26], [sflag:$0xA], $0x4000, $0x38;
	[tilespmem:$0x15C00] =	vst v63  }
.Ltmp5:
0xac: {  	_ =	swait.ge [sflag:s5], $0x4000;
	s15 =	sshra.s32 s9, $0x2;
	(pc) =	sbr.rel .LBB2_5-.Ltmp5, $4  }
0xad: {  	s9 =	sadd.s32 $0xA00, s9;
	s14 =	sadd.s32 $0x50000, s14;
	s13 =	sadd.s32 $0x50000, s13  }
0xae: {  	s12 =	sadd.s32 $0x50000, s12;
	s11 =	sadd.s32 $0x50000, s11;
	[sflag:s5] =	ssyncset.done $0x0  }
0xaf: {  	s10 =	sadd.s32 $0x50000, s10;
	s15 =	sadd.s32 $0x380, s15;
	[sflag:s5] =	ssyncadd.s32 $0xFFFFC000  }
0xb0: {  	[tilespmem:s22], [sflag:$0x3] =	stream.indirect.gather [hbm4b:s1+s18], $0x80, s15, s18, $0xb8;
	[tilespmem:$0x15C00] =	vst v63  }
.LBB2_8:
0xb1: {  	_ =	sfence.sel $0x180000  }
0xb2: {  	[bflag:$0x0] =	sbarrier.arrive $0xFFFF  }
0xb3: {  	_ =	strace $0x90000047  }
0xb4: {  	s0 =	stileid.u32;
	[bflag:$0x2] =	sbarrier.arrive $0xFFFF  }
0xb5: {  	p0 =	sne.s32 s0, $0x0;
	s0 =	rddreg [dreg:$0x4]  }
0xb6: {  	s0 =	sadd.s32 @!p0 $0x100000, s0  }
0xb7: {  	[sflag:s0] =	ssyncadd.tile.s32 @!p0 $0x1;
	_ =	shalt  }
.Lfunc_end2:
_tile_overlayer_lowered:
.L_overlay_start_2:
0xb8: {  	(tag) =	ssettag $0x2  }
0xb9: {  	s0 =	rddreg [dreg:$0x0];
	s2 =	stileid.u32  }
0xba: {  	s1 =	rddreg [dreg:$0x1];
	p0 =	sne.s32 s2, $0x0  }
0xbb: {  	s3 =	rddreg [dreg:$0x2];
	[bflag:$0x3] =	sbarrier.arrive $0xFFFF;
	s2 =	simm.s32 @!p0 $0x1C0B  }
0xbc: {  	[timem:s3], [sflag:s2] =	dma.local @!p0 [hbm:s0], s1  }
0xbd: {  	s0 =	simm.s32 @!p0 $0xB  }
0xbe: {  	_ =	swait.ge @!p0 [sflag:s0], s1  }
0xbf: {  	s1 =	ssub.s32 @!p0 $0x0, s1;
	[sflag:s0] =	ssyncset.done @!p0 $0x0  }
0xc0: {  	[sflag:s0] =	ssyncadd.s32 @!p0 s1  }
0xc1: {  	[bflag:$0x3] =	sbarrier.arrive $0xFFFF  }
0xc2: {  	_ =	shalt  }

</sc_bundles>
